<compile_context>
chip_gen: v7x
topology: tpu7x:2x2x1
jax: 0.10.2.dev20260603
libtpu: 0.0.44.dev20260713+nightly
codegen_flags: <defaults>
</compile_context>

<pallas_src>
import functools

import jax
import jax.numpy as jnp
from jax import lax
from jax.experimental import pallas as pl
from jax.experimental.pallas import tpu as pltpu
from jax.experimental.pallas import tpu_sc as plsc

N = 10000
D = 128
E = 320000

NC = 2
NS = 16
CH = 128
ST = 80
EPT = ST * CH
NP = 10240
RPT = NP // NS

_MESH = plsc.VectorSubcoreMesh(core_axis_name="c", subcore_axis_name="s")



@functools.partial(
    pl.kernel,
    mesh=_MESH,
    out_type=jax.ShapeDtypeStruct((NC, NP, D), jnp.float32),
    scratch_types=[
        pltpu.VMEM((ST, CH), jnp.int32),
        pltpu.VMEM((CH, D), jnp.float32),
        pltpu.VMEM_SHARED((NP, D), jnp.float32),
        pltpu.SemaphoreType.DMA,
    ],
)
def _sc_degree(dst_hbm, zeros_hbm, ones_hbm, out_hbm,
               dst_v, ones_v, acc, sem):
    c = lax.axis_index("c")
    s = lax.axis_index("s")
    r0 = s * RPT
    pltpu.sync_copy(dst_hbm.at[c, s], dst_v)
    pltpu.sync_copy(ones_hbm, ones_v)
    pltpu.sync_copy(zeros_hbm.at[pl.ds(r0, RPT)], acc.at[pl.ds(r0, RPT)])
    plsc.subcore_barrier()

    def step(j, carry):
        pltpu.sync_copy(ones_v, acc.at[dst_v.at[j]], add=True)
        return carry

    lax.fori_loop(0, ST, step, 0)
    plsc.subcore_barrier()
    pltpu.sync_copy(acc.at[pl.ds(r0, RPT)], out_hbm.at[c, pl.ds(r0, RPT)])


@functools.partial(
    pl.kernel,
    mesh=_MESH,
    out_type=jax.ShapeDtypeStruct((NC, NP, D), jnp.float32),
    scratch_types=[
        pltpu.VMEM((CH,), jnp.int32),
        pltpu.VMEM((CH,), jnp.int32),
        pltpu.VMEM((CH,), jnp.int32),
        pltpu.VMEM((CH,), jnp.int32),
        pltpu.VMEM((CH, D), jnp.float32),
        pltpu.VMEM((CH, D), jnp.float32),
        pltpu.VMEM_SHARED((NP, D), jnp.float32),
        pltpu.SemaphoreType.DMA,
        pltpu.SemaphoreType.DMA,
    ],
)
def _sc_scatter(g_hbm, eidx_hbm, zeros_hbm, out_hbm,
                src0_v, src1_v, dst0_v, dst1_v, rows0_v, rows1_v, acc,
                gsem0, gsem1):
    c = lax.axis_index("c")
    s = lax.axis_index("s")
    r0 = s * RPT
    pltpu.sync_copy(zeros_hbm.at[pl.ds(r0, RPT)], acc.at[pl.ds(r0, RPT)])
    plsc.subcore_barrier()

    pltpu.sync_copy(eidx_hbm.at[0, c, s, 0], src0_v)
    pltpu.sync_copy(eidx_hbm.at[1, c, s, 0], dst0_v)
    pltpu.async_copy(g_hbm.at[src0_v], rows0_v, gsem0)
    pltpu.sync_copy(eidx_hbm.at[0, c, s, 1], src1_v)
    pltpu.sync_copy(eidx_hbm.at[1, c, s, 1], dst1_v)
    pltpu.async_copy(g_hbm.at[src1_v], rows1_v, gsem1)

    def step(i, carry):
        j = 2 * i
        pltpu.make_async_copy(g_hbm.at[src0_v], rows0_v, gsem0).wait()
        pltpu.sync_copy(rows0_v, acc.at[dst0_v], add=True)

        @pl.when(j + 2 < ST)
        def _():
            pltpu.sync_copy(eidx_hbm.at[0, c, s, j + 2], src0_v)
            pltpu.sync_copy(eidx_hbm.at[1, c, s, j + 2], dst0_v)
            pltpu.async_copy(g_hbm.at[src0_v], rows0_v, gsem0)

        pltpu.make_async_copy(g_hbm.at[src1_v], rows1_v, gsem1).wait()
        pltpu.sync_copy(rows1_v, acc.at[dst1_v], add=True)

        @pl.when(j + 3 < ST)
        def _():
            pltpu.sync_copy(eidx_hbm.at[0, c, s, j + 3], src1_v)
            pltpu.sync_copy(eidx_hbm.at[1, c, s, j + 3], dst1_v)
            pltpu.async_copy(g_hbm.at[src1_v], rows1_v, gsem1)

        return carry

    lax.fori_loop(0, ST // 2, step, 0)
    plsc.subcore_barrier()
    pltpu.sync_copy(acc.at[pl.ds(r0, RPT)], out_hbm.at[c, pl.ds(r0, RPT)])



_BR = 400
_GRID = N // _BR
_BRP = 320
_GRIDP = NP // _BRP


def _dinv_block(degw_ref):
    deg = degw_ref[0, :, 0:1] + degw_ref[1, :, 0:1] + 1.0
    return lax.rsqrt(deg)


def _tc_mlp_body(x_ref, w1_ref, b1_ref, w2_ref, b2_ref, wc1_ref, degw_ref,
                 g_ref):
    h = jnp.dot(x_ref[...], w1_ref[...], preferred_element_type=jnp.float32)
    h = jnp.maximum(h + b1_ref[...], 0.0)
    h = jnp.dot(h, w2_ref[...], preferred_element_type=jnp.float32) + b2_ref[...]
    h = jnp.dot(h, wc1_ref[...], preferred_element_type=jnp.float32)
    g_ref[...] = h * _dinv_block(degw_ref)


def _tc_mid_body(p_ref, g_ref, degw_ref, bc1_ref, wc2_ref, out_ref):
    dinv = _dinv_block(degw_ref)
    t = (p_ref[0] + p_ref[1] + g_ref[...]) * dinv + bc1_ref[...]
    t = jnp.maximum(t, 0.0)
    out_ref[...] = jnp.dot(t, wc2_ref[...],
                           preferred_element_type=jnp.float32) * dinv


def _tc_out_body(q_ref, g_ref, degw_ref, bc2_ref, out_ref):
    dinv = _dinv_block(degw_ref)
    t = (q_ref[0] + q_ref[1] + g_ref[...]) * dinv + bc2_ref[...]
    out_ref[...] = jax.nn.sigmoid(t)


def _full(shape):
    return pl.BlockSpec(shape, lambda i: tuple(0 for _ in shape))


_ROWS = pl.BlockSpec((_BR, D), lambda i: (i, 0))
_PART = pl.BlockSpec((NC, _BR, D), lambda i: (0, i, 0))
_DEGW = pl.BlockSpec((NC, _BR, D), lambda i: (0, i, 0))
_ROWSP = pl.BlockSpec((_BRP, D), lambda i: (i, 0))
_PARTP = pl.BlockSpec((NC, _BRP, D), lambda i: (0, i, 0))
_DEGWP = pl.BlockSpec((NC, _BRP, D), lambda i: (0, i, 0))


def _tc_mlp(x, W1, b1, W2, b2, Wc1, degw):
    return pl.pallas_call(
        _tc_mlp_body,
        grid=(_GRIDP,),
        in_specs=[_ROWSP, _full((D, D)), _full((1, D)), _full((D, 2 * D)),
                  _full((1, 2 * D)), _full((2 * D, D)), _DEGWP],
        out_specs=_ROWSP,
        out_shape=jax.ShapeDtypeStruct((NP, D), jnp.float32),
    )(x, W1, b1, W2, b2, Wc1, degw)


def _tc_mid(P, g1, degw, bc1, Wc2):
    return pl.pallas_call(
        _tc_mid_body,
        grid=(_GRIDP,),
        in_specs=[_PARTP, _ROWSP, _DEGWP, _full((1, D)), _full((D, D))],
        out_specs=_ROWSP,
        out_shape=jax.ShapeDtypeStruct((NP, D), jnp.float32),
    )(P, g1, degw, bc1, Wc2)


def _tc_out(Q, g2, degw, bc2):
    return pl.pallas_call(
        _tc_out_body,
        grid=(_GRID,),
        in_specs=[_PART, _ROWS, _DEGW, _full((1, D))],
        out_specs=_ROWS,
        out_shape=jax.ShapeDtypeStruct((N, D), jnp.float32),
    )(Q, g2, degw, bc2)



def kernel(node_features, edge_index, W1, b1, W2, b2, Wc1, bc1, Wc2, bc2):
    zeros128 = jnp.zeros((NP, D), jnp.float32)
    ones128 = jnp.ones((CH, D), jnp.float32)

    ept = E // (NC * NS)
    er = edge_index.reshape(2, NC, NS, ept)
    pads = jnp.broadcast_to(
        jnp.arange(N, NP, dtype=edge_index.dtype), (2, NC, NS, EPT - ept))
    eidx = jnp.concatenate([er, pads], axis=-1).reshape(2, NC, NS, ST, CH)

    degw = _sc_degree(eidx[1], zeros128, ones128)
    g1 = _tc_mlp(node_features, W1, b1.reshape(1, D), W2, b2.reshape(1, 2 * D),
                 Wc1, degw)
    P = _sc_scatter(g1, eidx, zeros128)
    g2 = _tc_mid(P, g1, degw, bc1.reshape(1, D), Wc2)
    Q = _sc_scatter(g2, eidx, zeros128)
    return _tc_out(Q, g2, degw, bc2.reshape(1, D))

# --- scband reference (transcript-rebuilt; emitter-appended) ---
"""Pipeline reference for scband-gcnconv-model-73186242724453 (READ-ONLY COPY).

The authoritative reference and input builder live on the scoring server;
editing this copy changes nothing except your own understanding.
"""

import jax, jax.numpy as jnp
import numpy as np

N = 10000
E = 320000
D = 128


def _lin_init(key, fan_in, shape):
    s = 1.0 / np.sqrt(fan_in)
    return jax.random.uniform(key, shape, minval=-s, maxval=s, dtype=jnp.float32)


def setup_inputs(seed: int = 0):
    key = jax.random.key(seed)
    ks = jax.random.split(key, 12)
    node_features = jax.random.normal(ks[0], (N, D), dtype=jnp.float32)
    edge_index = jax.random.randint(ks[1], (2, E), 0, N, dtype=jnp.int32)
    # fc: Linear(D, D) -> ReLU -> Linear(D, 2D)
    W1 = _lin_init(ks[2], D, (D, D))
    b1 = _lin_init(ks[3], D, (D,))
    W2 = _lin_init(ks[4], D, (D, 2 * D))
    b2 = _lin_init(ks[5], D, (2 * D,))
    # GCNConv(2D -> D): lin weight (no bias in lin) + separate bias added post-aggregation
    Wc1 = _lin_init(ks[6], 2 * D, (2 * D, D))
    bc1 = jnp.zeros((D,), dtype=jnp.float32)
    # GCNConv(D -> D)
    Wc2 = _lin_init(ks[7], D, (D, D))
    bc2 = jnp.zeros((D,), dtype=jnp.float32)
    return {
        "node_features": node_features,
        "edge_index": edge_index,
        "W1": W1, "b1": b1, "W2": W2, "b2": b2,
        "Wc1": Wc1, "bc1": bc1, "Wc2": Wc2, "bc2": bc2,
    }


def _gcn_conv(x, edge_index, W, b):
    # PyG GCNConv: add self-loops, symmetric normalization D^-1/2 (A+I) D^-1/2 X W + b
    loop = jnp.arange(N, dtype=edge_index.dtype)
    src = jnp.concatenate([edge_index[0], loop])
    dst = jnp.concatenate([edge_index[1], loop])
    h = x @ W
    deg = jnp.zeros((N,), dtype=h.dtype).at[dst].add(1.0)
    dinv = jnp.where(deg > 0, jax.lax.rsqrt(jnp.maximum(deg, 1e-12)), 0.0)
    norm = dinv[src] * dinv[dst]
    msg = h[src] * norm[:, None]
    out = jnp.zeros((N, W.shape[1]), dtype=h.dtype).at[dst].add(msg)
    return out + b


def reference(node_features, edge_index, W1, b1, W2, b2, Wc1, bc1, Wc2, bc2):
    h = jax.nn.relu(node_features @ W1 + b1)
    h = h @ W2 + b2
    h = jax.nn.relu(_gcn_conv(h, edge_index, Wc1, bc1))
    h = jax.nn.sigmoid(_gcn_conv(h, edge_index, Wc2, bc2))
    return h

if __name__ == "__main__":
    import jax
    _d = setup_inputs()
    print(jax.jit(kernel)(*tuple(_d.values())))

</pallas_src>

<mosaic_0001>
#map = affine_map<(d0, d1) -> (0, 0, 0, 0)>
#map1 = affine_map<(d0, d1) -> (0, 0)>
#map2 = affine_map<(d0, d1) -> (0, 0, 0)>
module attributes {stable_mosaic.version = 14 : i64} {
  func.func @_sc_degree(%arg0: i32, %arg1: i32, %arg2: memref<2x16x80x128xi32, #tpu.memory_space<hbm>>, %arg3: memref<10240x128xf32, #tpu.memory_space<hbm>>, %arg4: memref<128x128xf32, #tpu.memory_space<hbm>>, %arg5: memref<2x10240x128xf32, #tpu.memory_space<hbm>>, %arg6: memref<80x128xi32, #tpu.memory_space<vmem>>, %arg7: memref<128x128xf32, #tpu.memory_space<vmem>>, %arg8: memref<10240x128xf32, #tpu.memory_space<vmem_shared>>, %arg9: memref<!tpu.dma_semaphore, #tpu.memory_space<semaphore_mem>>) attributes {dimension_semantics = [#tpu.dimension_semantics<core_parallel>, #tpu.dimension_semantics<subcore_parallel>], iteration_bounds = array<i64: 2, 16>, scalar_prefetch = 0 : i64, scratch_operands = 4 : i64, tpu.core_type = #tpu.core_type<sc_vector_subcore>, window_params = [{transform_indices = #map}, {transform_indices = #map1}, {transform_indices = #map1}, {transform_indices = #map2}]} {
    %mul3A = arith.constant 640 : i32
    %mul3A_0 = arith.muli %arg1, %mul3A : i32
    "tpu.region"() ({
      %run_scoped3A = tpu.sem_alloc : memref<!tpu.dma_semaphore, #tpu.memory_space<semaphore_mem>>
      %dma_start3A = arith.constant 0 : i32
      %dma_start3A_7 = arith.constant 0 : i32
      %dma_start3A_8 = tpu.memref_slice %arg2[%arg0, %arg1, %dma_start3A, %dma_start3A_7] : memref<2x16x80x128xi32, #tpu.memory_space<hbm>> -> memref<1x1x80x128xi32, #tpu.memory_space<hbm>>
      %dma_start3A_9 = tpu.memref_squeeze %dma_start3A_8 : memref<1x1x80x128xi32, #tpu.memory_space<hbm>> -> memref<80x128xi32, #tpu.memory_space<hbm>>
      %dma_start3A_10 = arith.constant 0 : i32
      %dma_start3A_11 = arith.constant 0 : i32
      %dma_start3A_12 = tpu.memref_slice %arg2[%arg0, %arg1, %dma_start3A_10, %dma_start3A_11] : memref<2x16x80x128xi32, #tpu.memory_space<hbm>> -> memref<1x1x80x128xi32, #tpu.memory_space<hbm>>
      %dma_start3A_13 = tpu.memref_squeeze %dma_start3A_12 : memref<1x1x80x128xi32, #tpu.memory_space<hbm>> -> memref<80x128xi32, #tpu.memory_space<hbm>>
      tpu.enqueue_dma source(%dma_start3A_13 : memref<80x128xi32, #tpu.memory_space<hbm>>) target(%arg6 : memref<80x128xi32, #tpu.memory_space<vmem>>) target_semaphore(%run_scoped3A : memref<!tpu.dma_semaphore, #tpu.memory_space<semaphore_mem>>)
      %dma_wait3A = arith.constant 0 : i32
      %dma_wait3A_14 = arith.constant 0 : i32
      %dma_wait3A_15 = tpu.memref_slice %arg2[%arg0, %arg1, %dma_wait3A, %dma_wait3A_14] : memref<2x16x80x128xi32, #tpu.memory_space<hbm>> -> memref<1x1x80x128xi32, #tpu.memory_space<hbm>>
      %dma_wait3A_16 = tpu.memref_squeeze %dma_wait3A_15 : memref<1x1x80x128xi32, #tpu.memory_space<hbm>> -> memref<80x128xi32, #tpu.memory_space<hbm>>
      %dma_wait3A_17 = arith.constant 0 : i32
      %dma_wait3A_18 = arith.constant 0 : i32
      %dma_wait3A_19 = tpu.memref_slice %arg2[%arg0, %arg1, %dma_wait3A_17, %dma_wait3A_18] : memref<2x16x80x128xi32, #tpu.memory_space<hbm>> -> memref<1x1x80x128xi32, #tpu.memory_space<hbm>>
      %dma_wait3A_20 = tpu.memref_squeeze %dma_wait3A_19 : memref<1x1x80x128xi32, #tpu.memory_space<hbm>> -> memref<80x128xi32, #tpu.memory_space<hbm>>
      tpu.wait_dma2 semaphore(%run_scoped3A : memref<!tpu.dma_semaphore, #tpu.memory_space<semaphore_mem>>) src(%dma_wait3A_20 : memref<80x128xi32, #tpu.memory_space<hbm>>) dst(%arg6 : memref<80x128xi32, #tpu.memory_space<vmem>>)
      tpu.yield
    }) : () -> ()
    "tpu.region"() ({
      %run_scoped3A = tpu.sem_alloc : memref<!tpu.dma_semaphore, #tpu.memory_space<semaphore_mem>>
      tpu.enqueue_dma source(%arg4 : memref<128x128xf32, #tpu.memory_space<hbm>>) target(%arg7 : memref<128x128xf32, #tpu.memory_space<vmem>>) target_semaphore(%run_scoped3A : memref<!tpu.dma_semaphore, #tpu.memory_space<semaphore_mem>>)
      tpu.wait_dma2 semaphore(%run_scoped3A : memref<!tpu.dma_semaphore, #tpu.memory_space<semaphore_mem>>) src(%arg4 : memref<128x128xf32, #tpu.memory_space<hbm>>) dst(%arg7 : memref<128x128xf32, #tpu.memory_space<vmem>>)
      tpu.yield
    }) : () -> ()
    "tpu.region"() ({
      %run_scoped3A = tpu.sem_alloc : memref<!tpu.dma_semaphore, #tpu.memory_space<semaphore_mem>>
      %dma_start3A = arith.constant 0 : i32
      %dma_start3A_7 = tpu.memref_slice %arg8[%mul3A_0, %dma_start3A] : memref<10240x128xf32, #tpu.memory_space<vmem_shared>> -> memref<640x128xf32, #tpu.memory_space<vmem_shared>>
      %dma_start3A_8 = arith.constant 0 : i32
      %dma_start3A_9 = tpu.memref_slice %arg3[%mul3A_0, %dma_start3A_8] : memref<10240x128xf32, #tpu.memory_space<hbm>> -> memref<640x128xf32, #tpu.memory_space<hbm>>
      tpu.enqueue_dma source(%dma_start3A_9 : memref<640x128xf32, #tpu.memory_space<hbm>>) target(%dma_start3A_7 : memref<640x128xf32, #tpu.memory_space<vmem_shared>>) target_semaphore(%run_scoped3A : memref<!tpu.dma_semaphore, #tpu.memory_space<semaphore_mem>>)
      %dma_wait3A = arith.constant 0 : i32
      %dma_wait3A_10 = tpu.memref_slice %arg8[%mul3A_0, %dma_wait3A] : memref<10240x128xf32, #tpu.memory_space<vmem_shared>> -> memref<640x128xf32, #tpu.memory_space<vmem_shared>>
      %dma_wait3A_11 = arith.constant 0 : i32
      %dma_wait3A_12 = tpu.memref_slice %arg3[%mul3A_0, %dma_wait3A_11] : memref<10240x128xf32, #tpu.memory_space<hbm>> -> memref<640x128xf32, #tpu.memory_space<hbm>>
      tpu.wait_dma2 semaphore(%run_scoped3A : memref<!tpu.dma_semaphore, #tpu.memory_space<semaphore_mem>>) src(%dma_wait3A_12 : memref<640x128xf32, #tpu.memory_space<hbm>>) dst(%dma_wait3A_10 : memref<640x128xf32, #tpu.memory_space<vmem_shared>>)
      tpu.yield
    }) : () -> ()
    %barrier3A = arith.constant 0 : index
    tpu.barrier barrier_id(%barrier3A)
    %scan3A = arith.constant 0 : i32
    %scan3A_1 = arith.constant 0 : i32
    %scan3A_2 = arith.constant 80 : i32
    %scan3A_3 = arith.addi %scan3A_1, %scan3A_2 : i32
    %scan3A_4 = arith.constant 1 : i32
    scf.for %scan3A_7 = %scan3A_1 to %scan3A_3 step %scan3A_4  : i32 {
      "tpu.region"() ({
        %run_scoped3A = tpu.sem_alloc : memref<!tpu.dma_semaphore, #tpu.memory_space<semaphore_mem>>
        %dma_start3A = arith.constant 0 : i32
        %dma_start3A_8 = tpu.memref_slice %arg6[%scan3A_7, %dma_start3A] : memref<80x128xi32, #tpu.memory_space<vmem>> -> memref<1x128xi32, #tpu.memory_space<vmem>>
        %dma_start3A_9 = tpu.memref_squeeze %dma_start3A_8 : memref<1x128xi32, #tpu.memory_space<vmem>> -> memref<128xi32, #tpu.memory_space<vmem>>
        %dma_start3A_10 = arith.constant 0 : i32
        %dma_start3A_11 = arith.constant 0 : i32
        %dma_start3A_12 = tpu.memref_slice %arg8[%dma_start3A_10, %dma_start3A_11] : memref<10240x128xf32, #tpu.memory_space<vmem_shared>> -> memref<10240x128xf32, #tpu.memory_space<vmem_shared>>
        tpu.enqueue_indirect_dma source(%arg7 : memref<128x128xf32, #tpu.memory_space<vmem>>) target(%dma_start3A_12 : memref<10240x128xf32, #tpu.memory_space<vmem_shared>>) offsets(%dma_start3A_9 : memref<128xi32, #tpu.memory_space<vmem>>) semaphore(%run_scoped3A : memref<!tpu.dma_semaphore, #tpu.memory_space<semaphore_mem>>) {add = true}
        %dma_wait3A = arith.constant 0 : i32
        %dma_wait3A_13 = tpu.memref_slice %arg6[%scan3A_7, %dma_wait3A] : memref<80x128xi32, #tpu.memory_space<vmem>> -> memref<1x128xi32, #tpu.memory_space<vmem>>
        %dma_wait3A_14 = tpu.memref_squeeze %dma_wait3A_13 : memref<1x128xi32, #tpu.memory_space<vmem>> -> memref<128xi32, #tpu.memory_space<vmem>>
        %dma_wait3A_15 = arith.constant 0 : i32
        %dma_wait3A_16 = arith.constant 0 : i32
        %dma_wait3A_17 = tpu.memref_slice %arg8[%dma_wait3A_15, %dma_wait3A_16] : memref<10240x128xf32, #tpu.memory_space<vmem_shared>> -> memref<10240x128xf32, #tpu.memory_space<vmem_shared>>
        tpu.wait_indirect_dma semaphore(%run_scoped3A : memref<!tpu.dma_semaphore, #tpu.memory_space<semaphore_mem>>) src(%arg7 : memref<128x128xf32, #tpu.memory_space<vmem>>) dst(%dma_wait3A_17 : memref<10240x128xf32, #tpu.memory_space<vmem_shared>>)
        tpu.yield
      }) : () -> ()
    }
    %scan3A_5 = arith.constant 80 : i32
    %barrier3A_6 = arith.constant 0 : index
    tpu.barrier barrier_id(%barrier3A_6)
    "tpu.region"() ({
      %run_scoped3A = tpu.sem_alloc : memref<!tpu.dma_semaphore, #tpu.memory_space<semaphore_mem>>
      %dma_start3A = arith.constant 0 : i32
      %dma_start3A_7 = tpu.memref_slice %arg5[%arg0, %mul3A_0, %dma_start3A] : memref<2x10240x128xf32, #tpu.memory_space<hbm>> -> memref<1x640x128xf32, #tpu.memory_space<hbm>>
      %dma_start3A_8 = tpu.memref_squeeze %dma_start3A_7 : memref<1x640x128xf32, #tpu.memory_space<hbm>> -> memref<640x128xf32, #tpu.memory_space<hbm>>
      %dma_start3A_9 = arith.constant 0 : i32
      %dma_start3A_10 = tpu.memref_slice %arg8[%mul3A_0, %dma_start3A_9] : memref<10240x128xf32, #tpu.memory_space<vmem_shared>> -> memref<640x128xf32, #tpu.memory_space<vmem_shared>>
      tpu.enqueue_dma source(%dma_start3A_10 : memref<640x128xf32, #tpu.memory_space<vmem_shared>>) target(%dma_start3A_8 : memref<640x128xf32, #tpu.memory_space<hbm>>) target_semaphore(%run_scoped3A : memref<!tpu.dma_semaphore, #tpu.memory_space<semaphore_mem>>)
      %dma_wait3A = arith.constant 0 : i32
      %dma_wait3A_11 = tpu.memref_slice %arg5[%arg0, %mul3A_0, %dma_wait3A] : memref<2x10240x128xf32, #tpu.memory_space<hbm>> -> memref<1x640x128xf32, #tpu.memory_space<hbm>>
      %dma_wait3A_12 = tpu.memref_squeeze %dma_wait3A_11 : memref<1x640x128xf32, #tpu.memory_space<hbm>> -> memref<640x128xf32, #tpu.memory_space<hbm>>
      %dma_wait3A_13 = arith.constant 0 : i32
      %dma_wait3A_14 = tpu.memref_slice %arg8[%mul3A_0, %dma_wait3A_13] : memref<10240x128xf32, #tpu.memory_space<vmem_shared>> -> memref<640x128xf32, #tpu.memory_space<vmem_shared>>
      tpu.wait_dma2 semaphore(%run_scoped3A : memref<!tpu.dma_semaphore, #tpu.memory_space<semaphore_mem>>) src(%dma_wait3A_14 : memref<640x128xf32, #tpu.memory_space<vmem_shared>>) dst(%dma_wait3A_12 : memref<640x128xf32, #tpu.memory_space<hbm>>)
      tpu.yield
    }) : () -> ()
    return
  }
}

#map = affine_map<(d0, d1) -> (0, 0)>
#map1 = affine_map<(d0, d1) -> (0, 0, 0, 0, 0)>
#map2 = affine_map<(d0, d1) -> (0, 0, 0)>
module attributes {stable_mosaic.version = 14 : i64} {
  func.func @_sc_scatter(%arg0: i32, %arg1: i32, %arg2: memref<10240x128xf32, #tpu.memory_space<hbm>>, %arg3: memref<2x2x16x80x128xi32, #tpu.memory_space<hbm>>, %arg4: memref<10240x128xf32, #tpu.memory_space<hbm>>, %arg5: memref<2x10240x128xf32, #tpu.memory_space<hbm>>, %arg6: memref<128xi32, #tpu.memory_space<vmem>>, %arg7: memref<128xi32, #tpu.memory_space<vmem>>, %arg8: memref<128xi32, #tpu.memory_space<vmem>>, %arg9: memref<128xi32, #tpu.memory_space<vmem>>, %arg10: memref<128x128xf32, #tpu.memory_space<vmem>>, %arg11: memref<128x128xf32, #tpu.memory_space<vmem>>, %arg12: memref<10240x128xf32, #tpu.memory_space<vmem_shared>>, %arg13: memref<!tpu.dma_semaphore, #tpu.memory_space<semaphore_mem>>, %arg14: memref<!tpu.dma_semaphore, #tpu.memory_space<semaphore_mem>>) attributes {dimension_semantics = [#tpu.dimension_semantics<core_parallel>, #tpu.dimension_semantics<subcore_parallel>], iteration_bounds = array<i64: 2, 16>, scalar_prefetch = 0 : i64, scratch_operands = 9 : i64, tpu.core_type = #tpu.core_type<sc_vector_subcore>, window_params = [{transform_indices = #map}, {transform_indices = #map1}, {transform_indices = #map}, {transform_indices = #map2}]} {
    %mul3A = arith.constant 640 : i32
    %mul3A_0 = arith.muli %arg1, %mul3A : i32
    "tpu.region"() ({
      %run_scoped3A_19 = tpu.sem_alloc : memref<!tpu.dma_semaphore, #tpu.memory_space<semaphore_mem>>
      %dma_start3A_20 = arith.constant 0 : i32
      %dma_start3A_21 = tpu.memref_slice %arg12[%mul3A_0, %dma_start3A_20] : memref<10240x128xf32, #tpu.memory_space<vmem_shared>> -> memref<640x128xf32, #tpu.memory_space<vmem_shared>>
      %dma_start3A_22 = arith.constant 0 : i32
      %dma_start3A_23 = tpu.memref_slice %arg4[%mul3A_0, %dma_start3A_22] : memref<10240x128xf32, #tpu.memory_space<hbm>> -> memref<640x128xf32, #tpu.memory_space<hbm>>
      tpu.enqueue_dma source(%dma_start3A_23 : memref<640x128xf32, #tpu.memory_space<hbm>>) target(%dma_start3A_21 : memref<640x128xf32, #tpu.memory_space<vmem_shared>>) target_semaphore(%run_scoped3A_19 : memref<!tpu.dma_semaphore, #tpu.memory_space<semaphore_mem>>)
      %dma_wait3A = arith.constant 0 : i32
      %dma_wait3A_24 = tpu.memref_slice %arg12[%mul3A_0, %dma_wait3A] : memref<10240x128xf32, #tpu.memory_space<vmem_shared>> -> memref<640x128xf32, #tpu.memory_space<vmem_shared>>
      %dma_wait3A_25 = arith.constant 0 : i32
      %dma_wait3A_26 = tpu.memref_slice %arg4[%mul3A_0, %dma_wait3A_25] : memref<10240x128xf32, #tpu.memory_space<hbm>> -> memref<640x128xf32, #tpu.memory_space<hbm>>
      tpu.wait_dma2 semaphore(%run_scoped3A_19 : memref<!tpu.dma_semaphore, #tpu.memory_space<semaphore_mem>>) src(%dma_wait3A_26 : memref<640x128xf32, #tpu.memory_space<hbm>>) dst(%dma_wait3A_24 : memref<640x128xf32, #tpu.memory_space<vmem_shared>>)
      tpu.yield
    }) : () -> ()
    %barrier3A = arith.constant 0 : index
    tpu.barrier barrier_id(%barrier3A)
    %run_scoped3A = arith.constant 0 : i32
    %run_scoped3A_1 = arith.constant 0 : i32
    "tpu.region"() ({
      %run_scoped3A_19 = tpu.sem_alloc : memref<!tpu.dma_semaphore, #tpu.memory_space<semaphore_mem>>
      %dma_start3A_20 = arith.constant 0 : i32
      %dma_start3A_21 = tpu.memref_slice %arg3[%run_scoped3A, %arg0, %arg1, %run_scoped3A_1, %dma_start3A_20] : memref<2x2x16x80x128xi32, #tpu.memory_space<hbm>> -> memref<1x1x1x1x128xi32, #tpu.memory_space<hbm>>
      %dma_start3A_22 = tpu.memref_squeeze %dma_start3A_21 : memref<1x1x1x1x128xi32, #tpu.memory_space<hbm>> -> memref<128xi32, #tpu.memory_space<hbm>>
      %dma_start3A_23 = arith.constant 0 : i32
      %dma_start3A_24 = tpu.memref_slice %arg3[%run_scoped3A, %arg0, %arg1, %run_scoped3A_1, %dma_start3A_23] : memref<2x2x16x80x128xi32, #tpu.memory_space<hbm>> -> memref<1x1x1x1x128xi32, #tpu.memory_space<hbm>>
      %dma_start3A_25 = tpu.memref_squeeze %dma_start3A_24 : memref<1x1x1x1x128xi32, #tpu.memory_space<hbm>> -> memref<128xi32, #tpu.memory_space<hbm>>
      tpu.enqueue_dma source(%dma_start3A_25 : memref<128xi32, #tpu.memory_space<hbm>>) target(%arg6 : memref<128xi32, #tpu.memory_space<vmem>>) target_semaphore(%run_scoped3A_19 : memref<!tpu.dma_semaphore, #tpu.memory_space<semaphore_mem>>)
      %dma_wait3A = arith.constant 0 : i32
      %dma_wait3A_26 = tpu.memref_slice %arg3[%run_scoped3A, %arg0, %arg1, %run_scoped3A_1, %dma_wait3A] : memref<2x2x16x80x128xi32, #tpu.memory_space<hbm>> -> memref<1x1x1x1x128xi32, #tpu.memory_space<hbm>>
      %dma_wait3A_27 = tpu.memref_squeeze %dma_wait3A_26 : memref<1x1x1x1x128xi32, #tpu.memory_space<hbm>> -> memref<128xi32, #tpu.memory_space<hbm>>
      %dma_wait3A_28 = arith.constant 0 : i32
      %dma_wait3A_29 = tpu.memref_slice %arg3[%run_scoped3A, %arg0, %arg1, %run_scoped3A_1, %dma_wait3A_28] : memref<2x2x16x80x128xi32, #tpu.memory_space<hbm>> -> memref<1x1x1x1x128xi32, #tpu.memory_space<hbm>>
      %dma_wait3A_30 = tpu.memref_squeeze %dma_wait3A_29 : memref<1x1x1x1x128xi32, #tpu.memory_space<hbm>> -> memref<128xi32, #tpu.memory_space<hbm>>
      tpu.wait_dma2 semaphore(%run_scoped3A_19 : memref<!tpu.dma_semaphore, #tpu.memory_space<semaphore_mem>>) src(%dma_wait3A_30 : memref<128xi32, #tpu.memory_space<hbm>>) dst(%arg6 : memref<128xi32, #tpu.memory_space<vmem>>)
      tpu.yield
    }) : () -> ()
    %run_scoped3A_2 = arith.constant 1 : i32
    %run_scoped3A_3 = arith.constant 0 : i32
    "tpu.region"() ({
      %run_scoped3A_19 = tpu.sem_alloc : memref<!tpu.dma_semaphore, #tpu.memory_space<semaphore_mem>>
      %dma_start3A_20 = arith.constant 0 : i32
      %dma_start3A_21 = tpu.memref_slice %arg3[%run_scoped3A_2, %arg0, %arg1, %run_scoped3A_3, %dma_start3A_20] : memref<2x2x16x80x128xi32, #tpu.memory_space<hbm>> -> memref<1x1x1x1x128xi32, #tpu.memory_space<hbm>>
      %dma_start3A_22 = tpu.memref_squeeze %dma_start3A_21 : memref<1x1x1x1x128xi32, #tpu.memory_space<hbm>> -> memref<128xi32, #tpu.memory_space<hbm>>
      %dma_start3A_23 = arith.constant 0 : i32
      %dma_start3A_24 = tpu.memref_slice %arg3[%run_scoped3A_2, %arg0, %arg1, %run_scoped3A_3, %dma_start3A_23] : memref<2x2x16x80x128xi32, #tpu.memory_space<hbm>> -> memref<1x1x1x1x128xi32, #tpu.memory_space<hbm>>
      %dma_start3A_25 = tpu.memref_squeeze %dma_start3A_24 : memref<1x1x1x1x128xi32, #tpu.memory_space<hbm>> -> memref<128xi32, #tpu.memory_space<hbm>>
      tpu.enqueue_dma source(%dma_start3A_25 : memref<128xi32, #tpu.memory_space<hbm>>) target(%arg8 : memref<128xi32, #tpu.memory_space<vmem>>) target_semaphore(%run_scoped3A_19 : memref<!tpu.dma_semaphore, #tpu.memory_space<semaphore_mem>>)
      %dma_wait3A = arith.constant 0 : i32
      %dma_wait3A_26 = tpu.memref_slice %arg3[%run_scoped3A_2, %arg0, %arg1, %run_scoped3A_3, %dma_wait3A] : memref<2x2x16x80x128xi32, #tpu.memory_space<hbm>> -> memref<1x1x1x1x128xi32, #tpu.memory_space<hbm>>
      %dma_wait3A_27 = tpu.memref_squeeze %dma_wait3A_26 : memref<1x1x1x1x128xi32, #tpu.memory_space<hbm>> -> memref<128xi32, #tpu.memory_space<hbm>>
      %dma_wait3A_28 = arith.constant 0 : i32
      %dma_wait3A_29 = tpu.memref_slice %arg3[%run_scoped3A_2, %arg0, %arg1, %run_scoped3A_3, %dma_wait3A_28] : memref<2x2x16x80x128xi32, #tpu.memory_space<hbm>> -> memref<1x1x1x1x128xi32, #tpu.memory_space<hbm>>
      %dma_wait3A_30 = tpu.memref_squeeze %dma_wait3A_29 : memref<1x1x1x1x128xi32, #tpu.memory_space<hbm>> -> memref<128xi32, #tpu.memory_space<hbm>>
      tpu.wait_dma2 semaphore(%run_scoped3A_19 : memref<!tpu.dma_semaphore, #tpu.memory_space<semaphore_mem>>) src(%dma_wait3A_30 : memref<128xi32, #tpu.memory_space<hbm>>) dst(%arg8 : memref<128xi32, #tpu.memory_space<vmem>>)
      tpu.yield
    }) : () -> ()
    %dma_start3A = arith.constant 0 : i32
    %dma_start3A_4 = arith.constant 0 : i32
    %dma_start3A_5 = tpu.memref_slice %arg2[%dma_start3A, %dma_start3A_4] : memref<10240x128xf32, #tpu.memory_space<hbm>> -> memref<10240x128xf32, #tpu.memory_space<hbm>>
    tpu.enqueue_indirect_dma source(%dma_start3A_5 : memref<10240x128xf32, #tpu.memory_space<hbm>>) target(%arg10 : memref<128x128xf32, #tpu.memory_space<vmem>>) offsets(%arg6 : memref<128xi32, #tpu.memory_space<vmem>>) semaphore(%arg13 : memref<!tpu.dma_semaphore, #tpu.memory_space<semaphore_mem>>)
    %run_scoped3A_6 = arith.constant 0 : i32
    %run_scoped3A_7 = arith.constant 1 : i32
    "tpu.region"() ({
      %run_scoped3A_19 = tpu.sem_alloc : memref<!tpu.dma_semaphore, #tpu.memory_space<semaphore_mem>>
      %dma_start3A_20 = arith.constant 0 : i32
      %dma_start3A_21 = tpu.memref_slice %arg3[%run_scoped3A_6, %arg0, %arg1, %run_scoped3A_7, %dma_start3A_20] : memref<2x2x16x80x128xi32, #tpu.memory_space<hbm>> -> memref<1x1x1x1x128xi32, #tpu.memory_space<hbm>>
      %dma_start3A_22 = tpu.memref_squeeze %dma_start3A_21 : memref<1x1x1x1x128xi32, #tpu.memory_space<hbm>> -> memref<128xi32, #tpu.memory_space<hbm>>
      %dma_start3A_23 = arith.constant 0 : i32
      %dma_start3A_24 = tpu.memref_slice %arg3[%run_scoped3A_6, %arg0, %arg1, %run_scoped3A_7, %dma_start3A_23] : memref<2x2x16x80x128xi32, #tpu.memory_space<hbm>> -> memref<1x1x1x1x128xi32, #tpu.memory_space<hbm>>
      %dma_start3A_25 = tpu.memref_squeeze %dma_start3A_24 : memref<1x1x1x1x128xi32, #tpu.memory_space<hbm>> -> memref<128xi32, #tpu.memory_space<hbm>>
      tpu.enqueue_dma source(%dma_start3A_25 : memref<128xi32, #tpu.memory_space<hbm>>) target(%arg7 : memref<128xi32, #tpu.memory_space<vmem>>) target_semaphore(%run_scoped3A_19 : memref<!tpu.dma_semaphore, #tpu.memory_space<semaphore_mem>>)
      %dma_wait3A = arith.constant 0 : i32
      %dma_wait3A_26 = tpu.memref_slice %arg3[%run_scoped3A_6, %arg0, %arg1, %run_scoped3A_7, %dma_wait3A] : memref<2x2x16x80x128xi32, #tpu.memory_space<hbm>> -> memref<1x1x1x1x128xi32, #tpu.memory_space<hbm>>
      %dma_wait3A_27 = tpu.memref_squeeze %dma_wait3A_26 : memref<1x1x1x1x128xi32, #tpu.memory_space<hbm>> -> memref<128xi32, #tpu.memory_space<hbm>>
      %dma_wait3A_28 = arith.constant 0 : i32
      %dma_wait3A_29 = tpu.memref_slice %arg3[%run_scoped3A_6, %arg0, %arg1, %run_scoped3A_7, %dma_wait3A_28] : memref<2x2x16x80x128xi32, #tpu.memory_space<hbm>> -> memref<1x1x1x1x128xi32, #tpu.memory_space<hbm>>
      %dma_wait3A_30 = tpu.memref_squeeze %dma_wait3A_29 : memref<1x1x1x1x128xi32, #tpu.memory_space<hbm>> -> memref<128xi32, #tpu.memory_space<hbm>>
      tpu.wait_dma2 semaphore(%run_scoped3A_19 : memref<!tpu.dma_semaphore, #tpu.memory_space<semaphore_mem>>) src(%dma_wait3A_30 : memref<128xi32, #tpu.memory_space<hbm>>) dst(%arg7 : memref<128xi32, #tpu.memory_space<vmem>>)
      tpu.yield
    }) : () -> ()
    %run_scoped3A_8 = arith.constant 1 : i32
    %run_scoped3A_9 = arith.constant 1 : i32
    "tpu.region"() ({
      %run_scoped3A_19 = tpu.sem_alloc : memref<!tpu.dma_semaphore, #tpu.memory_space<semaphore_mem>>
      %dma_start3A_20 = arith.constant 0 : i32
      %dma_start3A_21 = tpu.memref_slice %arg3[%run_scoped3A_8, %arg0, %arg1, %run_scoped3A_9, %dma_start3A_20] : memref<2x2x16x80x128xi32, #tpu.memory_space<hbm>> -> memref<1x1x1x1x128xi32, #tpu.memory_space<hbm>>
      %dma_start3A_22 = tpu.memref_squeeze %dma_start3A_21 : memref<1x1x1x1x128xi32, #tpu.memory_space<hbm>> -> memref<128xi32, #tpu.memory_space<hbm>>
      %dma_start3A_23 = arith.constant 0 : i32
      %dma_start3A_24 = tpu.memref_slice %arg3[%run_scoped3A_8, %arg0, %arg1, %run_scoped3A_9, %dma_start3A_23] : memref<2x2x16x80x128xi32, #tpu.memory_space<hbm>> -> memref<1x1x1x1x128xi32, #tpu.memory_space<hbm>>
      %dma_start3A_25 = tpu.memref_squeeze %dma_start3A_24 : memref<1x1x1x1x128xi32, #tpu.memory_space<hbm>> -> memref<128xi32, #tpu.memory_space<hbm>>
      tpu.enqueue_dma source(%dma_start3A_25 : memref<128xi32, #tpu.memory_space<hbm>>) target(%arg9 : memref<128xi32, #tpu.memory_space<vmem>>) target_semaphore(%run_scoped3A_19 : memref<!tpu.dma_semaphore, #tpu.memory_space<semaphore_mem>>)
      %dma_wait3A = arith.constant 0 : i32
      %dma_wait3A_26 = tpu.memref_slice %arg3[%run_scoped3A_8, %arg0, %arg1, %run_scoped3A_9, %dma_wait3A] : memref<2x2x16x80x128xi32, #tpu.memory_space<hbm>> -> memref<1x1x1x1x128xi32, #tpu.memory_space<hbm>>
      %dma_wait3A_27 = tpu.memref_squeeze %dma_wait3A_26 : memref<1x1x1x1x128xi32, #tpu.memory_space<hbm>> -> memref<128xi32, #tpu.memory_space<hbm>>
      %dma_wait3A_28 = arith.constant 0 : i32
      %dma_wait3A_29 = tpu.memref_slice %arg3[%run_scoped3A_8, %arg0, %arg1, %run_scoped3A_9, %dma_wait3A_28] : memref<2x2x16x80x128xi32, #tpu.memory_space<hbm>> -> memref<1x1x1x1x128xi32, #tpu.memory_space<hbm>>
      %dma_wait3A_30 = tpu.memref_squeeze %dma_wait3A_29 : memref<1x1x1x1x128xi32, #tpu.memory_space<hbm>> -> memref<128xi32, #tpu.memory_space<hbm>>
      tpu.wait_dma2 semaphore(%run_scoped3A_19 : memref<!tpu.dma_semaphore, #tpu.memory_space<semaphore_mem>>) src(%dma_wait3A_30 : memref<128xi32, #tpu.memory_space<hbm>>) dst(%arg9 : memref<128xi32, #tpu.memory_space<vmem>>)
      tpu.yield
    }) : () -> ()
    %dma_start3A_10 = arith.constant 0 : i32
    %dma_start3A_11 = arith.constant 0 : i32
    %dma_start3A_12 = tpu.memref_slice %arg2[%dma_start3A_10, %dma_start3A_11] : memref<10240x128xf32, #tpu.memory_space<hbm>> -> memref<10240x128xf32, #tpu.memory_space<hbm>>
    tpu.enqueue_indirect_dma source(%dma_start3A_12 : memref<10240x128xf32, #tpu.memory_space<hbm>>) target(%arg11 : memref<128x128xf32, #tpu.memory_space<vmem>>) offsets(%arg7 : memref<128xi32, #tpu.memory_space<vmem>>) semaphore(%arg14 : memref<!tpu.dma_semaphore, #tpu.memory_space<semaphore_mem>>)
    %scan3A = arith.constant 0 : i32
    %scan3A_13 = arith.constant 0 : i32
    %scan3A_14 = arith.constant 40 : i32
    %scan3A_15 = arith.addi %scan3A_13, %scan3A_14 : i32
    %scan3A_16 = arith.constant 1 : i32
    scf.for %scan3A_19 = %scan3A_13 to %scan3A_15 step %scan3A_16  : i32 {
      %mul3A_20 = arith.constant 2 : i32
      %mul3A_21 = arith.muli %mul3A_20, %scan3A_19 : i32
      %dma_wait3A = arith.constant 0 : i32
      %dma_wait3A_22 = arith.constant 0 : i32
      %dma_wait3A_23 = tpu.memref_slice %arg2[%dma_wait3A, %dma_wait3A_22] : memref<10240x128xf32, #tpu.memory_space<hbm>> -> memref<10240x128xf32, #tpu.memory_space<hbm>>
      tpu.wait_indirect_dma semaphore(%arg13 : memref<!tpu.dma_semaphore, #tpu.memory_space<semaphore_mem>>) src(%dma_wait3A_23 : memref<10240x128xf32, #tpu.memory_space<hbm>>) dst(%arg10 : memref<128x128xf32, #tpu.memory_space<vmem>>)
      "tpu.region"() ({
        %run_scoped3A_37 = tpu.sem_alloc : memref<!tpu.dma_semaphore, #tpu.memory_space<semaphore_mem>>
        %dma_start3A_38 = arith.constant 0 : i32
        %dma_start3A_39 = arith.constant 0 : i32
        %dma_start3A_40 = tpu.memref_slice %arg12[%dma_start3A_38, %dma_start3A_39] : memref<10240x128xf32, #tpu.memory_space<vmem_shared>> -> memref<10240x128xf32, #tpu.memory_space<vmem_shared>>
        tpu.enqueue_indirect_dma source(%arg10 : memref<128x128xf32, #tpu.memory_space<vmem>>) target(%dma_start3A_40 : memref<10240x128xf32, #tpu.memory_space<vmem_shared>>) offsets(%arg8 : memref<128xi32, #tpu.memory_space<vmem>>) semaphore(%run_scoped3A_37 : memref<!tpu.dma_semaphore, #tpu.memory_space<semaphore_mem>>) {add = true}
        %dma_wait3A_41 = arith.constant 0 : i32
        %dma_wait3A_42 = arith.constant 0 : i32
        %dma_wait3A_43 = tpu.memref_slice %arg12[%dma_wait3A_41, %dma_wait3A_42] : memref<10240x128xf32, #tpu.memory_space<vmem_shared>> -> memref<10240x128xf32, #tpu.memory_space<vmem_shared>>
        tpu.wait_indirect_dma semaphore(%run_scoped3A_37 : memref<!tpu.dma_semaphore, #tpu.memory_space<semaphore_mem>>) src(%arg10 : memref<128x128xf32, #tpu.memory_space<vmem>>) dst(%dma_wait3A_43 : memref<10240x128xf32, #tpu.memory_space<vmem_shared>>)
        tpu.yield
      }) : () -> ()
      %add3A = arith.constant 2 : i32
      %add3A_24 = arith.addi %mul3A_21, %add3A : i32
      %lt3A = arith.constant 80 : i32
      %lt3A_25 = arith.cmpi slt, %add3A_24, %lt3A : i32
      %convert_element_type3A = arith.extui %lt3A_25 : i1 to i32
      %cond3A = arith.constant 0 : i32
      %cond3A_26 = arith.cmpi ne, %convert_element_type3A, %cond3A : i32
      scf.if %cond3A_26 {
        %add3A_37 = arith.constant 2 : i32
        %add3A_38 = arith.addi %mul3A_21, %add3A_37 : i32
        %run_scoped3A_39 = arith.constant 0 : i32
        "tpu.region"() ({
          %run_scoped3A_46 = tpu.sem_alloc : memref<!tpu.dma_semaphore, #tpu.memory_space<semaphore_mem>>
          %dma_start3A_47 = arith.constant 0 : i32
          %dma_start3A_48 = tpu.memref_slice %arg3[%run_scoped3A_39, %arg0, %arg1, %add3A_38, %dma_start3A_47] : memref<2x2x16x80x128xi32, #tpu.memory_space<hbm>> -> memref<1x1x1x1x128xi32, #tpu.memory_space<hbm>>
          %dma_start3A_49 = tpu.memref_squeeze %dma_start3A_48 : memref<1x1x1x1x128xi32, #tpu.memory_space<hbm>> -> memref<128xi32, #tpu.memory_space<hbm>>
          %dma_start3A_50 = arith.constant 0 : i32
          %dma_start3A_51 = tpu.memref_slice %arg3[%run_scoped3A_39, %arg0, %arg1, %add3A_38, %dma_start3A_50] : memref<2x2x16x80x128xi32, #tpu.memory_space<hbm>> -> memref<1x1x1x1x128xi32, #tpu.memory_space<hbm>>
          %dma_start3A_52 = tpu.memref_squeeze %dma_start3A_51 : memref<1x1x1x1x128xi32, #tpu.memory_space<hbm>> -> memref<128xi32, #tpu.memory_space<hbm>>
          tpu.enqueue_dma source(%dma_start3A_52 : memref<128xi32, #tpu.memory_space<hbm>>) target(%arg6 : memref<128xi32, #tpu.memory_space<vmem>>) target_semaphore(%run_scoped3A_46 : memref<!tpu.dma_semaphore, #tpu.memory_space<semaphore_mem>>)
          %dma_wait3A_53 = arith.constant 0 : i32
          %dma_wait3A_54 = tpu.memref_slice %arg3[%run_scoped3A_39, %arg0, %arg1, %add3A_38, %dma_wait3A_53] : memref<2x2x16x80x128xi32, #tpu.memory_space<hbm>> -> memref<1x1x1x1x128xi32, #tpu.memory_space<hbm>>
          %dma_wait3A_55 = tpu.memref_squeeze %dma_wait3A_54 : memref<1x1x1x1x128xi32, #tpu.memory_space<hbm>> -> memref<128xi32, #tpu.memory_space<hbm>>
          %dma_wait3A_56 = arith.constant 0 : i32
          %dma_wait3A_57 = tpu.memref_slice %arg3[%run_scoped3A_39, %arg0, %arg1, %add3A_38, %dma_wait3A_56] : memref<2x2x16x80x128xi32, #tpu.memory_space<hbm>> -> memref<1x1x1x1x128xi32, #tpu.memory_space<hbm>>
          %dma_wait3A_58 = tpu.memref_squeeze %dma_wait3A_57 : memref<1x1x1x1x128xi32, #tpu.memory_space<hbm>> -> memref<128xi32, #tpu.memory_space<hbm>>
          tpu.wait_dma2 semaphore(%run_scoped3A_46 : memref<!tpu.dma_semaphore, #tpu.memory_space<semaphore_mem>>) src(%dma_wait3A_58 : memref<128xi32, #tpu.memory_space<hbm>>) dst(%arg6 : memref<128xi32, #tpu.memory_space<vmem>>)
          tpu.yield
        }) : () -> ()
        %add3A_40 = arith.constant 2 : i32
        %add3A_41 = arith.addi %mul3A_21, %add3A_40 : i32
        %run_scoped3A_42 = arith.constant 1 : i32
        "tpu.region"() ({
          %run_scoped3A_46 = tpu.sem_alloc : memref<!tpu.dma_semaphore, #tpu.memory_space<semaphore_mem>>
          %dma_start3A_47 = arith.constant 0 : i32
          %dma_start3A_48 = tpu.memref_slice %arg3[%run_scoped3A_42, %arg0, %arg1, %add3A_41, %dma_start3A_47] : memref<2x2x16x80x128xi32, #tpu.memory_space<hbm>> -> memref<1x1x1x1x128xi32, #tpu.memory_space<hbm>>
          %dma_start3A_49 = tpu.memref_squeeze %dma_start3A_48 : memref<1x1x1x1x128xi32, #tpu.memory_space<hbm>> -> memref<128xi32, #tpu.memory_space<hbm>>
          %dma_start3A_50 = arith.constant 0 : i32
          %dma_start3A_51 = tpu.memref_slice %arg3[%run_scoped3A_42, %arg0, %arg1, %add3A_41, %dma_start3A_50] : memref<2x2x16x80x128xi32, #tpu.memory_space<hbm>> -> memref<1x1x1x1x128xi32, #tpu.memory_space<hbm>>
          %dma_start3A_52 = tpu.memref_squeeze %dma_start3A_51 : memref<1x1x1x1x128xi32, #tpu.memory_space<hbm>> -> memref<128xi32, #tpu.memory_space<hbm>>
          tpu.enqueue_dma source(%dma_start3A_52 : memref<128xi32, #tpu.memory_space<hbm>>) target(%arg8 : memref<128xi32, #tpu.memory_space<vmem>>) target_semaphore(%run_scoped3A_46 : memref<!tpu.dma_semaphore, #tpu.memory_space<semaphore_mem>>)
          %dma_wait3A_53 = arith.constant 0 : i32
          %dma_wait3A_54 = tpu.memref_slice %arg3[%run_scoped3A_42, %arg0, %arg1, %add3A_41, %dma_wait3A_53] : memref<2x2x16x80x128xi32, #tpu.memory_space<hbm>> -> memref<1x1x1x1x128xi32, #tpu.memory_space<hbm>>
          %dma_wait3A_55 = tpu.memref_squeeze %dma_wait3A_54 : memref<1x1x1x1x128xi32, #tpu.memory_space<hbm>> -> memref<128xi32, #tpu.memory_space<hbm>>
          %dma_wait3A_56 = arith.constant 0 : i32
          %dma_wait3A_57 = tpu.memref_slice %arg3[%run_scoped3A_42, %arg0, %arg1, %add3A_41, %dma_wait3A_56] : memref<2x2x16x80x128xi32, #tpu.memory_space<hbm>> -> memref<1x1x1x1x128xi32, #tpu.memory_space<hbm>>
          %dma_wait3A_58 = tpu.memref_squeeze %dma_wait3A_57 : memref<1x1x1x1x128xi32, #tpu.memory_space<hbm>> -> memref<128xi32, #tpu.memory_space<hbm>>
          tpu.wait_dma2 semaphore(%run_scoped3A_46 : memref<!tpu.dma_semaphore, #tpu.memory_space<semaphore_mem>>) src(%dma_wait3A_58 : memref<128xi32, #tpu.memory_space<hbm>>) dst(%arg8 : memref<128xi32, #tpu.memory_space<vmem>>)
          tpu.yield
        }) : () -> ()
        %dma_start3A_43 = arith.constant 0 : i32
        %dma_start3A_44 = arith.constant 0 : i32
        %dma_start3A_45 = tpu.memref_slice %arg2[%dma_start3A_43, %dma_start3A_44] : memref<10240x128xf32, #tpu.memory_space<hbm>> -> memref<10240x128xf32, #tpu.memory_space<hbm>>
        tpu.enqueue_indirect_dma source(%dma_start3A_45 : memref<10240x128xf32, #tpu.memory_space<hbm>>) target(%arg10 : memref<128x128xf32, #tpu.memory_space<vmem>>) offsets(%arg6 : memref<128xi32, #tpu.memory_space<vmem>>) semaphore(%arg13 : memref<!tpu.dma_semaphore, #tpu.memory_space<semaphore_mem>>)
      } else {
      }
      %dma_wait3A_27 = arith.constant 0 : i32
      %dma_wait3A_28 = arith.constant 0 : i32
      %dma_wait3A_29 = tpu.memref_slice %arg2[%dma_wait3A_27, %dma_wait3A_28] : memref<10240x128xf32, #tpu.memory_space<hbm>> -> memref<10240x128xf32, #tpu.memory_space<hbm>>
      tpu.wait_indirect_dma semaphore(%arg14 : memref<!tpu.dma_semaphore, #tpu.memory_space<semaphore_mem>>) src(%dma_wait3A_29 : memref<10240x128xf32, #tpu.memory_space<hbm>>) dst(%arg11 : memref<128x128xf32, #tpu.memory_space<vmem>>)
      "tpu.region"() ({
        %run_scoped3A_37 = tpu.sem_alloc : memref<!tpu.dma_semaphore, #tpu.memory_space<semaphore_mem>>
        %dma_start3A_38 = arith.constant 0 : i32
        %dma_start3A_39 = arith.constant 0 : i32
        %dma_start3A_40 = tpu.memref_slice %arg12[%dma_start3A_38, %dma_start3A_39] : memref<10240x128xf32, #tpu.memory_space<vmem_shared>> -> memref<10240x128xf32, #tpu.memory_space<vmem_shared>>
        tpu.enqueue_indirect_dma source(%arg11 : memref<128x128xf32, #tpu.memory_space<vmem>>) target(%dma_start3A_40 : memref<10240x128xf32, #tpu.memory_space<vmem_shared>>) offsets(%arg9 : memref<128xi32, #tpu.memory_space<vmem>>) semaphore(%run_scoped3A_37 : memref<!tpu.dma_semaphore, #tpu.memory_space<semaphore_mem>>) {add = true}
        %dma_wait3A_41 = arith.constant 0 : i32
        %dma_wait3A_42 = arith.constant 0 : i32
        %dma_wait3A_43 = tpu.memref_slice %arg12[%dma_wait3A_41, %dma_wait3A_42] : memref<10240x128xf32, #tpu.memory_space<vmem_shared>> -> memref<10240x128xf32, #tpu.memory_space<vmem_shared>>
        tpu.wait_indirect_dma semaphore(%run_scoped3A_37 : memref<!tpu.dma_semaphore, #tpu.memory_space<semaphore_mem>>) src(%arg11 : memref<128x128xf32, #tpu.memory_space<vmem>>) dst(%dma_wait3A_43 : memref<10240x128xf32, #tpu.memory_space<vmem_shared>>)
        tpu.yield
      }) : () -> ()
      %add3A_30 = arith.constant 3 : i32
      %add3A_31 = arith.addi %mul3A_21, %add3A_30 : i32
      %lt3A_32 = arith.constant 80 : i32
      %lt3A_33 = arith.cmpi slt, %add3A_31, %lt3A_32 : i32
      %convert_element_type3A_34 = arith.extui %lt3A_33 : i1 to i32
      %cond3A_35 = arith.constant 0 : i32
      %cond3A_36 = arith.cmpi ne, %convert_element_type3A_34, %cond3A_35 : i32
      scf.if %cond3A_36 {
        %add3A_37 = arith.constant 3 : i32
        %add3A_38 = arith.addi %mul3A_21, %add3A_37 : i32
        %run_scoped3A_39 = arith.constant 0 : i32
        "tpu.region"() ({
          %run_scoped3A_46 = tpu.sem_alloc : memref<!tpu.dma_semaphore, #tpu.memory_space<semaphore_mem>>
          %dma_start3A_47 = arith.constant 0 : i32
          %dma_start3A_48 = tpu.memref_slice %arg3[%run_scoped3A_39, %arg0, %arg1, %add3A_38, %dma_start3A_47] : memref<2x2x16x80x128xi32, #tpu.memory_space<hbm>> -> memref<1x1x1x1x128xi32, #tpu.memory_space<hbm>>
          %dma_start3A_49 = tpu.memref_squeeze %dma_start3A_48 : memref<1x1x1x1x128xi32, #tpu.memory_space<hbm>> -> memref<128xi32, #tpu.memory_space<hbm>>
          %dma_start3A_50 = arith.constant 0 : i32
          %dma_start3A_51 = tpu.memref_slice %arg3[%run_scoped3A_39, %arg0, %arg1, %add3A_38, %dma_start3A_50] : memref<2x2x16x80x128xi32, #tpu.memory_space<hbm>> -> memref<1x1x1x1x128xi32, #tpu.memory_space<hbm>>
          %dma_start3A_52 = tpu.memref_squeeze %dma_start3A_51 : memref<1x1x1x1x128xi32, #tpu.memory_space<hbm>> -> memref<128xi32, #tpu.memory_space<hbm>>
          tpu.enqueue_dma source(%dma_start3A_52 : memref<128xi32, #tpu.memory_space<hbm>>) target(%arg7 : memref<128xi32, #tpu.memory_space<vmem>>) target_semaphore(%run_scoped3A_46 : memref<!tpu.dma_semaphore, #tpu.memory_space<semaphore_mem>>)
          %dma_wait3A_53 = arith.constant 0 : i32
          %dma_wait3A_54 = tpu.memref_slice %arg3[%run_scoped3A_39, %arg0, %arg1, %add3A_38, %dma_wait3A_53] : memref<2x2x16x80x128xi32, #tpu.memory_space<hbm>> -> memref<1x1x1x1x128xi32, #tpu.memory_space<hbm>>
          %dma_wait3A_55 = tpu.memref_squeeze %dma_wait3A_54 : memref<1x1x1x1x128xi32, #tpu.memory_space<hbm>> -> memref<128xi32, #tpu.memory_space<hbm>>
          %dma_wait3A_56 = arith.constant 0 : i32
          %dma_wait3A_57 = tpu.memref_slice %arg3[%run_scoped3A_39, %arg0, %arg1, %add3A_38, %dma_wait3A_56] : memref<2x2x16x80x128xi32, #tpu.memory_space<hbm>> -> memref<1x1x1x1x128xi32, #tpu.memory_space<hbm>>
          %dma_wait3A_58 = tpu.memref_squeeze %dma_wait3A_57 : memref<1x1x1x1x128xi32, #tpu.memory_space<hbm>> -> memref<128xi32, #tpu.memory_space<hbm>>
          tpu.wait_dma2 semaphore(%run_scoped3A_46 : memref<!tpu.dma_semaphore, #tpu.memory_space<semaphore_mem>>) src(%dma_wait3A_58 : memref<128xi32, #tpu.memory_space<hbm>>) dst(%arg7 : memref<128xi32, #tpu.memory_space<vmem>>)
          tpu.yield
        }) : () -> ()
        %add3A_40 = arith.constant 3 : i32
        %add3A_41 = arith.addi %mul3A_21, %add3A_40 : i32
        %run_scoped3A_42 = arith.constant 1 : i32
        "tpu.region"() ({
          %run_scoped3A_46 = tpu.sem_alloc : memref<!tpu.dma_semaphore, #tpu.memory_space<semaphore_mem>>
          %dma_start3A_47 = arith.constant 0 : i32
          %dma_start3A_48 = tpu.memref_slice %arg3[%run_scoped3A_42, %arg0, %arg1, %add3A_41, %dma_start3A_47] : memref<2x2x16x80x128xi32, #tpu.memory_space<hbm>> -> memref<1x1x1x1x128xi32, #tpu.memory_space<hbm>>
          %dma_start3A_49 = tpu.memref_squeeze %dma_start3A_48 : memref<1x1x1x1x128xi32, #tpu.memory_space<hbm>> -> memref<128xi32, #tpu.memory_space<hbm>>
          %dma_start3A_50 = arith.constant 0 : i32
          %dma_start3A_51 = tpu.memref_slice %arg3[%run_scoped3A_42, %arg0, %arg1, %add3A_41, %dma_start3A_50] : memref<2x2x16x80x128xi32, #tpu.memory_space<hbm>> -> memref<1x1x1x1x128xi32, #tpu.memory_space<hbm>>
          %dma_start3A_52 = tpu.memref_squeeze %dma_start3A_51 : memref<1x1x1x1x128xi32, #tpu.memory_space<hbm>> -> memref<128xi32, #tpu.memory_space<hbm>>
          tpu.enqueue_dma source(%dma_start3A_52 : memref<128xi32, #tpu.memory_space<hbm>>) target(%arg9 : memref<128xi32, #tpu.memory_space<vmem>>) target_semaphore(%run_scoped3A_46 : memref<!tpu.dma_semaphore, #tpu.memory_space<semaphore_mem>>)
          %dma_wait3A_53 = arith.constant 0 : i32
          %dma_wait3A_54 = tpu.memref_slice %arg3[%run_scoped3A_42, %arg0, %arg1, %add3A_41, %dma_wait3A_53] : memref<2x2x16x80x128xi32, #tpu.memory_space<hbm>> -> memref<1x1x1x1x128xi32, #tpu.memory_space<hbm>>
          %dma_wait3A_55 = tpu.memref_squeeze %dma_wait3A_54 : memref<1x1x1x1x128xi32, #tpu.memory_space<hbm>> -> memref<128xi32, #tpu.memory_space<hbm>>
          %dma_wait3A_56 = arith.constant 0 : i32
          %dma_wait3A_57 = tpu.memref_slice %arg3[%run_scoped3A_42, %arg0, %arg1, %add3A_41, %dma_wait3A_56] : memref<2x2x16x80x128xi32, #tpu.memory_space<hbm>> -> memref<1x1x1x1x128xi32, #tpu.memory_space<hbm>>
          %dma_wait3A_58 = tpu.memref_squeeze %dma_wait3A_57 : memref<1x1x1x1x128xi32, #tpu.memory_space<hbm>> -> memref<128xi32, #tpu.memory_space<hbm>>
          tpu.wait_dma2 semaphore(%run_scoped3A_46 : memref<!tpu.dma_semaphore, #tpu.memory_space<semaphore_mem>>) src(%dma_wait3A_58 : memref<128xi32, #tpu.memory_space<hbm>>) dst(%arg9 : memref<128xi32, #tpu.memory_space<vmem>>)
          tpu.yield
        }) : () -> ()
        %dma_start3A_43 = arith.constant 0 : i32
        %dma_start3A_44 = arith.constant 0 : i32
        %dma_start3A_45 = tpu.memref_slice %arg2[%dma_start3A_43, %dma_start3A_44] : memref<10240x128xf32, #tpu.memory_space<hbm>> -> memref<10240x128xf32, #tpu.memory_space<hbm>>
        tpu.enqueue_indirect_dma source(%dma_start3A_45 : memref<10240x128xf32, #tpu.memory_space<hbm>>) target(%arg11 : memref<128x128xf32, #tpu.memory_space<vmem>>) offsets(%arg7 : memref<128xi32, #tpu.memory_space<vmem>>) semaphore(%arg14 : memref<!tpu.dma_semaphore, #tpu.memory_space<semaphore_mem>>)
      } else {
      }
    }
    %scan3A_17 = arith.constant 40 : i32
    %barrier3A_18 = arith.constant 0 : index
    tpu.barrier barrier_id(%barrier3A_18)
    "tpu.region"() ({
      %run_scoped3A_19 = tpu.sem_alloc : memref<!tpu.dma_semaphore, #tpu.memory_space<semaphore_mem>>
      %dma_start3A_20 = arith.constant 0 : i32
      %dma_start3A_21 = tpu.memref_slice %arg5[%arg0, %mul3A_0, %dma_start3A_20] : memref<2x10240x128xf32, #tpu.memory_space<hbm>> -> memref<1x640x128xf32, #tpu.memory_space<hbm>>
      %dma_start3A_22 = tpu.memref_squeeze %dma_start3A_21 : memref<1x640x128xf32, #tpu.memory_space<hbm>> -> memref<640x128xf32, #tpu.memory_space<hbm>>
      %dma_start3A_23 = arith.constant 0 : i32
      %dma_start3A_24 = tpu.memref_slice %arg12[%mul3A_0, %dma_start3A_23] : memref<10240x128xf32, #tpu.memory_space<vmem_shared>> -> memref<640x128xf32, #tpu.memory_space<vmem_shared>>
      tpu.enqueue_dma source(%dma_start3A_24 : memref<640x128xf32, #tpu.memory_space<vmem_shared>>) target(%dma_start3A_22 : memref<640x128xf32, #tpu.memory_space<hbm>>) target_semaphore(%run_scoped3A_19 : memref<!tpu.dma_semaphore, #tpu.memory_space<semaphore_mem>>)
      %dma_wait3A = arith.constant 0 : i32
      %dma_wait3A_25 = tpu.memref_slice %arg5[%arg0, %mul3A_0, %dma_wait3A] : memref<2x10240x128xf32, #tpu.memory_space<hbm>> -> memref<1x640x128xf32, #tpu.memory_space<hbm>>
      %dma_wait3A_26 = tpu.memref_squeeze %dma_wait3A_25 : memref<1x640x128xf32, #tpu.memory_space<hbm>> -> memref<640x128xf32, #tpu.memory_space<hbm>>
      %dma_wait3A_27 = arith.constant 0 : i32
      %dma_wait3A_28 = tpu.memref_slice %arg12[%mul3A_0, %dma_wait3A_27] : memref<10240x128xf32, #tpu.memory_space<vmem_shared>> -> memref<640x128xf32, #tpu.memory_space<vmem_shared>>
      tpu.wait_dma2 semaphore(%run_scoped3A_19 : memref<!tpu.dma_semaphore, #tpu.memory_space<semaphore_mem>>) src(%dma_wait3A_28 : memref<640x128xf32, #tpu.memory_space<vmem_shared>>) dst(%dma_wait3A_26 : memref<640x128xf32, #tpu.memory_space<hbm>>)
      tpu.yield
    }) : () -> ()
    return
  }
}

#map = affine_map<(d0, d1) -> (0, 0)>
#map1 = affine_map<(d0, d1) -> (0, 0, 0, 0, 0)>
#map2 = affine_map<(d0, d1) -> (0, 0, 0)>
module attributes {stable_mosaic.version = 14 : i64} {
  func.func @_sc_scatter(%arg0: i32, %arg1: i32, %arg2: memref<10240x128xf32, #tpu.memory_space<hbm>>, %arg3: memref<2x2x16x80x128xi32, #tpu.memory_space<hbm>>, %arg4: memref<10240x128xf32, #tpu.memory_space<hbm>>, %arg5: memref<2x10240x128xf32, #tpu.memory_space<hbm>>, %arg6: memref<128xi32, #tpu.memory_space<vmem>>, %arg7: memref<128xi32, #tpu.memory_space<vmem>>, %arg8: memref<128xi32, #tpu.memory_space<vmem>>, %arg9: memref<128xi32, #tpu.memory_space<vmem>>, %arg10: memref<128x128xf32, #tpu.memory_space<vmem>>, %arg11: memref<128x128xf32, #tpu.memory_space<vmem>>, %arg12: memref<10240x128xf32, #tpu.memory_space<vmem_shared>>, %arg13: memref<!tpu.dma_semaphore, #tpu.memory_space<semaphore_mem>>, %arg14: memref<!tpu.dma_semaphore, #tpu.memory_space<semaphore_mem>>) attributes {dimension_semantics = [#tpu.dimension_semantics<core_parallel>, #tpu.dimension_semantics<subcore_parallel>], iteration_bounds = array<i64: 2, 16>, scalar_prefetch = 0 : i64, scratch_operands = 9 : i64, tpu.core_type = #tpu.core_type<sc_vector_subcore>, window_params = [{transform_indices = #map}, {transform_indices = #map1}, {transform_indices = #map}, {transform_indices = #map2}]} {
    %mul3A = arith.constant 640 : i32
    %mul3A_0 = arith.muli %arg1, %mul3A : i32
    "tpu.region"() ({
      %run_scoped3A_19 = tpu.sem_alloc : memref<!tpu.dma_semaphore, #tpu.memory_space<semaphore_mem>>
      %dma_start3A_20 = arith.constant 0 : i32
      %dma_start3A_21 = tpu.memref_slice %arg12[%mul3A_0, %dma_start3A_20] : memref<10240x128xf32, #tpu.memory_space<vmem_shared>> -> memref<640x128xf32, #tpu.memory_space<vmem_shared>>
      %dma_start3A_22 = arith.constant 0 : i32
      %dma_start3A_23 = tpu.memref_slice %arg4[%mul3A_0, %dma_start3A_22] : memref<10240x128xf32, #tpu.memory_space<hbm>> -> memref<640x128xf32, #tpu.memory_space<hbm>>
      tpu.enqueue_dma source(%dma_start3A_23 : memref<640x128xf32, #tpu.memory_space<hbm>>) target(%dma_start3A_21 : memref<640x128xf32, #tpu.memory_space<vmem_shared>>) target_semaphore(%run_scoped3A_19 : memref<!tpu.dma_semaphore, #tpu.memory_space<semaphore_mem>>)
      %dma_wait3A = arith.constant 0 : i32
      %dma_wait3A_24 = tpu.memref_slice %arg12[%mul3A_0, %dma_wait3A] : memref<10240x128xf32, #tpu.memory_space<vmem_shared>> -> memref<640x128xf32, #tpu.memory_space<vmem_shared>>
      %dma_wait3A_25 = arith.constant 0 : i32
      %dma_wait3A_26 = tpu.memref_slice %arg4[%mul3A_0, %dma_wait3A_25] : memref<10240x128xf32, #tpu.memory_space<hbm>> -> memref<640x128xf32, #tpu.memory_space<hbm>>
      tpu.wait_dma2 semaphore(%run_scoped3A_19 : memref<!tpu.dma_semaphore, #tpu.memory_space<semaphore_mem>>) src(%dma_wait3A_26 : memref<640x128xf32, #tpu.memory_space<hbm>>) dst(%dma_wait3A_24 : memref<640x128xf32, #tpu.memory_space<vmem_shared>>)
      tpu.yield
    }) : () -> ()
    %barrier3A = arith.constant 0 : index
    tpu.barrier barrier_id(%barrier3A)
    %run_scoped3A = arith.constant 0 : i32
    %run_scoped3A_1 = arith.constant 0 : i32
    "tpu.region"() ({
      %run_scoped3A_19 = tpu.sem_alloc : memref<!tpu.dma_semaphore, #tpu.memory_space<semaphore_mem>>
      %dma_start3A_20 = arith.constant 0 : i32
      %dma_start3A_21 = tpu.memref_slice %arg3[%run_scoped3A, %arg0, %arg1, %run_scoped3A_1, %dma_start3A_20] : memref<2x2x16x80x128xi32, #tpu.memory_space<hbm>> -> memref<1x1x1x1x128xi32, #tpu.memory_space<hbm>>
      %dma_start3A_22 = tpu.memref_squeeze %dma_start3A_21 : memref<1x1x1x1x128xi32, #tpu.memory_space<hbm>> -> memref<128xi32, #tpu.memory_space<hbm>>
      %dma_start3A_23 = arith.constant 0 : i32
      %dma_start3A_24 = tpu.memref_slice %arg3[%run_scoped3A, %arg0, %arg1, %run_scoped3A_1, %dma_start3A_23] : memref<2x2x16x80x128xi32, #tpu.memory_space<hbm>> -> memref<1x1x1x1x128xi32, #tpu.memory_space<hbm>>
      %dma_start3A_25 = tpu.memref_squeeze %dma_start3A_24 : memref<1x1x1x1x128xi32, #tpu.memory_space<hbm>> -> memref<128xi32, #tpu.memory_space<hbm>>
      tpu.enqueue_dma source(%dma_start3A_25 : memref<128xi32, #tpu.memory_space<hbm>>) target(%arg6 : memref<128xi32, #tpu.memory_space<vmem>>) target_semaphore(%run_scoped3A_19 : memref<!tpu.dma_semaphore, #tpu.memory_space<semaphore_mem>>)
      %dma_wait3A = arith.constant 0 : i32
      %dma_wait3A_26 = tpu.memref_slice %arg3[%run_scoped3A, %arg0, %arg1, %run_scoped3A_1, %dma_wait3A] : memref<2x2x16x80x128xi32, #tpu.memory_space<hbm>> -> memref<1x1x1x1x128xi32, #tpu.memory_space<hbm>>
      %dma_wait3A_27 = tpu.memref_squeeze %dma_wait3A_26 : memref<1x1x1x1x128xi32, #tpu.memory_space<hbm>> -> memref<128xi32, #tpu.memory_space<hbm>>
      %dma_wait3A_28 = arith.constant 0 : i32
      %dma_wait3A_29 = tpu.memref_slice %arg3[%run_scoped3A, %arg0, %arg1, %run_scoped3A_1, %dma_wait3A_28] : memref<2x2x16x80x128xi32, #tpu.memory_space<hbm>> -> memref<1x1x1x1x128xi32, #tpu.memory_space<hbm>>
      %dma_wait3A_30 = tpu.memref_squeeze %dma_wait3A_29 : memref<1x1x1x1x128xi32, #tpu.memory_space<hbm>> -> memref<128xi32, #tpu.memory_space<hbm>>
      tpu.wait_dma2 semaphore(%run_scoped3A_19 : memref<!tpu.dma_semaphore, #tpu.memory_space<semaphore_mem>>) src(%dma_wait3A_30 : memref<128xi32, #tpu.memory_space<hbm>>) dst(%arg6 : memref<128xi32, #tpu.memory_space<vmem>>)
      tpu.yield
    }) : () -> ()
    %run_scoped3A_2 = arith.constant 1 : i32
    %run_scoped3A_3 = arith.constant 0 : i32
    "tpu.region"() ({
      %run_scoped3A_19 = tpu.sem_alloc : memref<!tpu.dma_semaphore, #tpu.memory_space<semaphore_mem>>
      %dma_start3A_20 = arith.constant 0 : i32
      %dma_start3A_21 = tpu.memref_slice %arg3[%run_scoped3A_2, %arg0, %arg1, %run_scoped3A_3, %dma_start3A_20] : memref<2x2x16x80x128xi32, #tpu.memory_space<hbm>> -> memref<1x1x1x1x128xi32, #tpu.memory_space<hbm>>
      %dma_start3A_22 = tpu.memref_squeeze %dma_start3A_21 : memref<1x1x1x1x128xi32, #tpu.memory_space<hbm>> -> memref<128xi32, #tpu.memory_space<hbm>>
      %dma_start3A_23 = arith.constant 0 : i32
      %dma_start3A_24 = tpu.memref_slice %arg3[%run_scoped3A_2, %arg0, %arg1, %run_scoped3A_3, %dma_start3A_23] : memref<2x2x16x80x128xi32, #tpu.memory_space<hbm>> -> memref<1x1x1x1x128xi32, #tpu.memory_space<hbm>>
      %dma_start3A_25 = tpu.memref_squeeze %dma_start3A_24 : memref<1x1x1x1x128xi32, #tpu.memory_space<hbm>> -> memref<128xi32, #tpu.memory_space<hbm>>
      tpu.enqueue_dma source(%dma_start3A_25 : memref<128xi32, #tpu.memory_space<hbm>>) target(%arg8 : memref<128xi32, #tpu.memory_space<vmem>>) target_semaphore(%run_scoped3A_19 : memref<!tpu.dma_semaphore, #tpu.memory_space<semaphore_mem>>)
      %dma_wait3A = arith.constant 0 : i32
      %dma_wait3A_26 = tpu.memref_slice %arg3[%run_scoped3A_2, %arg0, %arg1, %run_scoped3A_3, %dma_wait3A] : memref<2x2x16x80x128xi32, #tpu.memory_space<hbm>> -> memref<1x1x1x1x128xi32, #tpu.memory_space<hbm>>
      %dma_wait3A_27 = tpu.memref_squeeze %dma_wait3A_26 : memref<1x1x1x1x128xi32, #tpu.memory_space<hbm>> -> memref<128xi32, #tpu.memory_space<hbm>>
      %dma_wait3A_28 = arith.constant 0 : i32
      %dma_wait3A_29 = tpu.memref_slice %arg3[%run_scoped3A_2, %arg0, %arg1, %run_scoped3A_3, %dma_wait3A_28] : memref<2x2x16x80x128xi32, #tpu.memory_space<hbm>> -> memref<1x1x1x1x128xi32, #tpu.memory_space<hbm>>
      %dma_wait3A_30 = tpu.memref_squeeze %dma_wait3A_29 : memref<1x1x1x1x128xi32, #tpu.memory_space<hbm>> -> memref<128xi32, #tpu.memory_space<hbm>>
      tpu.wait_dma2 semaphore(%run_scoped3A_19 : memref<!tpu.dma_semaphore, #tpu.memory_space<semaphore_mem>>) src(%dma_wait3A_30 : memref<128xi32, #tpu.memory_space<hbm>>) dst(%arg8 : memref<128xi32, #tpu.memory_space<vmem>>)
      tpu.yield
    }) : () -> ()
    %dma_start3A = arith.constant 0 : i32
    %dma_start3A_4 = arith.constant 0 : i32
    %dma_start3A_5 = tpu.memref_slice %arg2[%dma_start3A, %dma_start3A_4] : memref<10240x128xf32, #tpu.memory_space<hbm>> -> memref<10240x128xf32, #tpu.memory_space<hbm>>
    tpu.enqueue_indirect_dma source(%dma_start3A_5 : memref<10240x128xf32, #tpu.memory_space<hbm>>) target(%arg10 : memref<128x128xf32, #tpu.memory_space<vmem>>) offsets(%arg6 : memref<128xi32, #tpu.memory_space<vmem>>) semaphore(%arg13 : memref<!tpu.dma_semaphore, #tpu.memory_space<semaphore_mem>>)
    %run_scoped3A_6 = arith.constant 0 : i32
    %run_scoped3A_7 = arith.constant 1 : i32
    "tpu.region"() ({
      %run_scoped3A_19 = tpu.sem_alloc : memref<!tpu.dma_semaphore, #tpu.memory_space<semaphore_mem>>
      %dma_start3A_20 = arith.constant 0 : i32
      %dma_start3A_21 = tpu.memref_slice %arg3[%run_scoped3A_6, %arg0, %arg1, %run_scoped3A_7, %dma_start3A_20] : memref<2x2x16x80x128xi32, #tpu.memory_space<hbm>> -> memref<1x1x1x1x128xi32, #tpu.memory_space<hbm>>
      %dma_start3A_22 = tpu.memref_squeeze %dma_start3A_21 : memref<1x1x1x1x128xi32, #tpu.memory_space<hbm>> -> memref<128xi32, #tpu.memory_space<hbm>>
      %dma_start3A_23 = arith.constant 0 : i32
      %dma_start3A_24 = tpu.memref_slice %arg3[%run_scoped3A_6, %arg0, %arg1, %run_scoped3A_7, %dma_start3A_23] : memref<2x2x16x80x128xi32, #tpu.memory_space<hbm>> -> memref<1x1x1x1x128xi32, #tpu.memory_space<hbm>>
      %dma_start3A_25 = tpu.memref_squeeze %dma_start3A_24 : memref<1x1x1x1x128xi32, #tpu.memory_space<hbm>> -> memref<128xi32, #tpu.memory_space<hbm>>
      tpu.enqueue_dma source(%dma_start3A_25 : memref<128xi32, #tpu.memory_space<hbm>>) target(%arg7 : memref<128xi32, #tpu.memory_space<vmem>>) target_semaphore(%run_scoped3A_19 : memref<!tpu.dma_semaphore, #tpu.memory_space<semaphore_mem>>)
      %dma_wait3A = arith.constant 0 : i32
      %dma_wait3A_26 = tpu.memref_slice %arg3[%run_scoped3A_6, %arg0, %arg1, %run_scoped3A_7, %dma_wait3A] : memref<2x2x16x80x128xi32, #tpu.memory_space<hbm>> -> memref<1x1x1x1x128xi32, #tpu.memory_space<hbm>>
      %dma_wait3A_27 = tpu.memref_squeeze %dma_wait3A_26 : memref<1x1x1x1x128xi32, #tpu.memory_space<hbm>> -> memref<128xi32, #tpu.memory_space<hbm>>
      %dma_wait3A_28 = arith.constant 0 : i32
      %dma_wait3A_29 = tpu.memref_slice %arg3[%run_scoped3A_6, %arg0, %arg1, %run_scoped3A_7, %dma_wait3A_28] : memref<2x2x16x80x128xi32, #tpu.memory_space<hbm>> -> memref<1x1x1x1x128xi32, #tpu.memory_space<hbm>>
      %dma_wait3A_30 = tpu.memref_squeeze %dma_wait3A_29 : memref<1x1x1x1x128xi32, #tpu.memory_space<hbm>> -> memref<128xi32, #tpu.memory_space<hbm>>
      tpu.wait_dma2 semaphore(%run_scoped3A_19 : memref<!tpu.dma_semaphore, #tpu.memory_space<semaphore_mem>>) src(%dma_wait3A_30 : memref<128xi32, #tpu.memory_space<hbm>>) dst(%arg7 : memref<128xi32, #tpu.memory_space<vmem>>)
      tpu.yield
    }) : () -> ()
    %run_scoped3A_8 = arith.constant 1 : i32
    %run_scoped3A_9 = arith.constant 1 : i32
    "tpu.region"() ({
      %run_scoped3A_19 = tpu.sem_alloc : memref<!tpu.dma_semaphore, #tpu.memory_space<semaphore_mem>>
      %dma_start3A_20 = arith.constant 0 : i32
      %dma_start3A_21 = tpu.memref_slice %arg3[%run_scoped3A_8, %arg0, %arg1, %run_scoped3A_9, %dma_start3A_20] : memref<2x2x16x80x128xi32, #tpu.memory_space<hbm>> -> memref<1x1x1x1x128xi32, #tpu.memory_space<hbm>>
      %dma_start3A_22 = tpu.memref_squeeze %dma_start3A_21 : memref<1x1x1x1x128xi32, #tpu.memory_space<hbm>> -> memref<128xi32, #tpu.memory_space<hbm>>
      %dma_start3A_23 = arith.constant 0 : i32
      %dma_start3A_24 = tpu.memref_slice %arg3[%run_scoped3A_8, %arg0, %arg1, %run_scoped3A_9, %dma_start3A_23] : memref<2x2x16x80x128xi32, #tpu.memory_space<hbm>> -> memref<1x1x1x1x128xi32, #tpu.memory_space<hbm>>
      %dma_start3A_25 = tpu.memref_squeeze %dma_start3A_24 : memref<1x1x1x1x128xi32, #tpu.memory_space<hbm>> -> memref<128xi32, #tpu.memory_space<hbm>>
      tpu.enqueue_dma source(%dma_start3A_25 : memref<128xi32, #tpu.memory_space<hbm>>) target(%arg9 : memref<128xi32, #tpu.memory_space<vmem>>) target_semaphore(%run_scoped3A_19 : memref<!tpu.dma_semaphore, #tpu.memory_space<semaphore_mem>>)
      %dma_wait3A = arith.constant 0 : i32
      %dma_wait3A_26 = tpu.memref_slice %arg3[%run_scoped3A_8, %arg0, %arg1, %run_scoped3A_9, %dma_wait3A] : memref<2x2x16x80x128xi32, #tpu.memory_space<hbm>> -> memref<1x1x1x1x128xi32, #tpu.memory_space<hbm>>
      %dma_wait3A_27 = tpu.memref_squeeze %dma_wait3A_26 : memref<1x1x1x1x128xi32, #tpu.memory_space<hbm>> -> memref<128xi32, #tpu.memory_space<hbm>>
      %dma_wait3A_28 = arith.constant 0 : i32
      %dma_wait3A_29 = tpu.memref_slice %arg3[%run_scoped3A_8, %arg0, %arg1, %run_scoped3A_9, %dma_wait3A_28] : memref<2x2x16x80x128xi32, #tpu.memory_space<hbm>> -> memref<1x1x1x1x128xi32, #tpu.memory_space<hbm>>
      %dma_wait3A_30 = tpu.memref_squeeze %dma_wait3A_29 : memref<1x1x1x1x128xi32, #tpu.memory_space<hbm>> -> memref<128xi32, #tpu.memory_space<hbm>>
      tpu.wait_dma2 semaphore(%run_scoped3A_19 : memref<!tpu.dma_semaphore, #tpu.memory_space<semaphore_mem>>) src(%dma_wait3A_30 : memref<128xi32, #tpu.memory_space<hbm>>) dst(%arg9 : memref<128xi32, #tpu.memory_space<vmem>>)
      tpu.yield
    }) : () -> ()
    %dma_start3A_10 = arith.constant 0 : i32
    %dma_start3A_11 = arith.constant 0 : i32
    %dma_start3A_12 = tpu.memref_slice %arg2[%dma_start3A_10, %dma_start3A_11] : memref<10240x128xf32, #tpu.memory_space<hbm>> -> memref<10240x128xf32, #tpu.memory_space<hbm>>
    tpu.enqueue_indirect_dma source(%dma_start3A_12 : memref<10240x128xf32, #tpu.memory_space<hbm>>) target(%arg11 : memref<128x128xf32, #tpu.memory_space<vmem>>) offsets(%arg7 : memref<128xi32, #tpu.memory_space<vmem>>) semaphore(%arg14 : memref<!tpu.dma_semaphore, #tpu.memory_space<semaphore_mem>>)
    %scan3A = arith.constant 0 : i32
    %scan3A_13 = arith.constant 0 : i32
    %scan3A_14 = arith.constant 40 : i32
    %scan3A_15 = arith.addi %scan3A_13, %scan3A_14 : i32
    %scan3A_16 = arith.constant 1 : i32
    scf.for %scan3A_19 = %scan3A_13 to %scan3A_15 step %scan3A_16  : i32 {
      %mul3A_20 = arith.constant 2 : i32
      %mul3A_21 = arith.muli %mul3A_20, %scan3A_19 : i32
      %dma_wait3A = arith.constant 0 : i32
      %dma_wait3A_22 = arith.constant 0 : i32
      %dma_wait3A_23 = tpu.memref_slice %arg2[%dma_wait3A, %dma_wait3A_22] : memref<10240x128xf32, #tpu.memory_space<hbm>> -> memref<10240x128xf32, #tpu.memory_space<hbm>>
      tpu.wait_indirect_dma semaphore(%arg13 : memref<!tpu.dma_semaphore, #tpu.memory_space<semaphore_mem>>) src(%dma_wait3A_23 : memref<10240x128xf32, #tpu.memory_space<hbm>>) dst(%arg10 : memref<128x128xf32, #tpu.memory_space<vmem>>)
      "tpu.region"() ({
        %run_scoped3A_37 = tpu.sem_alloc : memref<!tpu.dma_semaphore, #tpu.memory_space<semaphore_mem>>
        %dma_start3A_38 = arith.constant 0 : i32
        %dma_start3A_39 = arith.constant 0 : i32
        %dma_start3A_40 = tpu.memref_slice %arg12[%dma_start3A_38, %dma_start3A_39] : memref<10240x128xf32, #tpu.memory_space<vmem_shared>> -> memref<10240x128xf32, #tpu.memory_space<vmem_shared>>
        tpu.enqueue_indirect_dma source(%arg10 : memref<128x128xf32, #tpu.memory_space<vmem>>) target(%dma_start3A_40 : memref<10240x128xf32, #tpu.memory_space<vmem_shared>>) offsets(%arg8 : memref<128xi32, #tpu.memory_space<vmem>>) semaphore(%run_scoped3A_37 : memref<!tpu.dma_semaphore, #tpu.memory_space<semaphore_mem>>) {add = true}
        %dma_wait3A_41 = arith.constant 0 : i32
        %dma_wait3A_42 = arith.constant 0 : i32
        %dma_wait3A_43 = tpu.memref_slice %arg12[%dma_wait3A_41, %dma_wait3A_42] : memref<10240x128xf32, #tpu.memory_space<vmem_shared>> -> memref<10240x128xf32, #tpu.memory_space<vmem_shared>>
        tpu.wait_indirect_dma semaphore(%run_scoped3A_37 : memref<!tpu.dma_semaphore, #tpu.memory_space<semaphore_mem>>) src(%arg10 : memref<128x128xf32, #tpu.memory_space<vmem>>) dst(%dma_wait3A_43 : memref<10240x128xf32, #tpu.memory_space<vmem_shared>>)
        tpu.yield
      }) : () -> ()
      %add3A = arith.constant 2 : i32
      %add3A_24 = arith.addi %mul3A_21, %add3A : i32
      %lt3A = arith.constant 80 : i32
      %lt3A_25 = arith.cmpi slt, %add3A_24, %lt3A : i32
      %convert_element_type3A = arith.extui %lt3A_25 : i1 to i32
      %cond3A = arith.constant 0 : i32
      %cond3A_26 = arith.cmpi ne, %convert_element_type3A, %cond3A : i32
      scf.if %cond3A_26 {
        %add3A_37 = arith.constant 2 : i32
        %add3A_38 = arith.addi %mul3A_21, %add3A_37 : i32
        %run_scoped3A_39 = arith.constant 0 : i32
        "tpu.region"() ({
          %run_scoped3A_46 = tpu.sem_alloc : memref<!tpu.dma_semaphore, #tpu.memory_space<semaphore_mem>>
          %dma_start3A_47 = arith.constant 0 : i32
          %dma_start3A_48 = tpu.memref_slice %arg3[%run_scoped3A_39, %arg0, %arg1, %add3A_38, %dma_start3A_47] : memref<2x2x16x80x128xi32, #tpu.memory_space<hbm>> -> memref<1x1x1x1x128xi32, #tpu.memory_space<hbm>>
          %dma_start3A_49 = tpu.memref_squeeze %dma_start3A_48 : memref<1x1x1x1x128xi32, #tpu.memory_space<hbm>> -> memref<128xi32, #tpu.memory_space<hbm>>
          %dma_start3A_50 = arith.constant 0 : i32
          %dma_start3A_51 = tpu.memref_slice %arg3[%run_scoped3A_39, %arg0, %arg1, %add3A_38, %dma_start3A_50] : memref<2x2x16x80x128xi32, #tpu.memory_space<hbm>> -> memref<1x1x1x1x128xi32, #tpu.memory_space<hbm>>
          %dma_start3A_52 = tpu.memref_squeeze %dma_start3A_51 : memref<1x1x1x1x128xi32, #tpu.memory_space<hbm>> -> memref<128xi32, #tpu.memory_space<hbm>>
          tpu.enqueue_dma source(%dma_start3A_52 : memref<128xi32, #tpu.memory_space<hbm>>) target(%arg6 : memref<128xi32, #tpu.memory_space<vmem>>) target_semaphore(%run_scoped3A_46 : memref<!tpu.dma_semaphore, #tpu.memory_space<semaphore_mem>>)
          %dma_wait3A_53 = arith.constant 0 : i32
          %dma_wait3A_54 = tpu.memref_slice %arg3[%run_scoped3A_39, %arg0, %arg1, %add3A_38, %dma_wait3A_53] : memref<2x2x16x80x128xi32, #tpu.memory_space<hbm>> -> memref<1x1x1x1x128xi32, #tpu.memory_space<hbm>>
          %dma_wait3A_55 = tpu.memref_squeeze %dma_wait3A_54 : memref<1x1x1x1x128xi32, #tpu.memory_space<hbm>> -> memref<128xi32, #tpu.memory_space<hbm>>
          %dma_wait3A_56 = arith.constant 0 : i32
          %dma_wait3A_57 = tpu.memref_slice %arg3[%run_scoped3A_39, %arg0, %arg1, %add3A_38, %dma_wait3A_56] : memref<2x2x16x80x128xi32, #tpu.memory_space<hbm>> -> memref<1x1x1x1x128xi32, #tpu.memory_space<hbm>>
          %dma_wait3A_58 = tpu.memref_squeeze %dma_wait3A_57 : memref<1x1x1x1x128xi32, #tpu.memory_space<hbm>> -> memref<128xi32, #tpu.memory_space<hbm>>
          tpu.wait_dma2 semaphore(%run_scoped3A_46 : memref<!tpu.dma_semaphore, #tpu.memory_space<semaphore_mem>>) src(%dma_wait3A_58 : memref<128xi32, #tpu.memory_space<hbm>>) dst(%arg6 : memref<128xi32, #tpu.memory_space<vmem>>)
          tpu.yield
        }) : () -> ()
        %add3A_40 = arith.constant 2 : i32
        %add3A_41 = arith.addi %mul3A_21, %add3A_40 : i32
        %run_scoped3A_42 = arith.constant 1 : i32
        "tpu.region"() ({
          %run_scoped3A_46 = tpu.sem_alloc : memref<!tpu.dma_semaphore, #tpu.memory_space<semaphore_mem>>
          %dma_start3A_47 = arith.constant 0 : i32
          %dma_start3A_48 = tpu.memref_slice %arg3[%run_scoped3A_42, %arg0, %arg1, %add3A_41, %dma_start3A_47] : memref<2x2x16x80x128xi32, #tpu.memory_space<hbm>> -> memref<1x1x1x1x128xi32, #tpu.memory_space<hbm>>
          %dma_start3A_49 = tpu.memref_squeeze %dma_start3A_48 : memref<1x1x1x1x128xi32, #tpu.memory_space<hbm>> -> memref<128xi32, #tpu.memory_space<hbm>>
          %dma_start3A_50 = arith.constant 0 : i32
          %dma_start3A_51 = tpu.memref_slice %arg3[%run_scoped3A_42, %arg0, %arg1, %add3A_41, %dma_start3A_50] : memref<2x2x16x80x128xi32, #tpu.memory_space<hbm>> -> memref<1x1x1x1x128xi32, #tpu.memory_space<hbm>>
          %dma_start3A_52 = tpu.memref_squeeze %dma_start3A_51 : memref<1x1x1x1x128xi32, #tpu.memory_space<hbm>> -> memref<128xi32, #tpu.memory_space<hbm>>
          tpu.enqueue_dma source(%dma_start3A_52 : memref<128xi32, #tpu.memory_space<hbm>>) target(%arg8 : memref<128xi32, #tpu.memory_space<vmem>>) target_semaphore(%run_scoped3A_46 : memref<!tpu.dma_semaphore, #tpu.memory_space<semaphore_mem>>)
          %dma_wait3A_53 = arith.constant 0 : i32
          %dma_wait3A_54 = tpu.memref_slice %arg3[%run_scoped3A_42, %arg0, %arg1, %add3A_41, %dma_wait3A_53] : memref<2x2x16x80x128xi32, #tpu.memory_space<hbm>> -> memref<1x1x1x1x128xi32, #tpu.memory_space<hbm>>
          %dma_wait3A_55 = tpu.memref_squeeze %dma_wait3A_54 : memref<1x1x1x1x128xi32, #tpu.memory_space<hbm>> -> memref<128xi32, #tpu.memory_space<hbm>>
          %dma_wait3A_56 = arith.constant 0 : i32
          %dma_wait3A_57 = tpu.memref_slice %arg3[%run_scoped3A_42, %arg0, %arg1, %add3A_41, %dma_wait3A_56] : memref<2x2x16x80x128xi32, #tpu.memory_space<hbm>> -> memref<1x1x1x1x128xi32, #tpu.memory_space<hbm>>
          %dma_wait3A_58 = tpu.memref_squeeze %dma_wait3A_57 : memref<1x1x1x1x128xi32, #tpu.memory_space<hbm>> -> memref<128xi32, #tpu.memory_space<hbm>>
          tpu.wait_dma2 semaphore(%run_scoped3A_46 : memref<!tpu.dma_semaphore, #tpu.memory_space<semaphore_mem>>) src(%dma_wait3A_58 : memref<128xi32, #tpu.memory_space<hbm>>) dst(%arg8 : memref<128xi32, #tpu.memory_space<vmem>>)
          tpu.yield
        }) : () -> ()
        %dma_start3A_43 = arith.constant 0 : i32
        %dma_start3A_44 = arith.constant 0 : i32
        %dma_start3A_45 = tpu.memref_slice %arg2[%dma_start3A_43, %dma_start3A_44] : memref<10240x128xf32, #tpu.memory_space<hbm>> -> memref<10240x128xf32, #tpu.memory_space<hbm>>
        tpu.enqueue_indirect_dma source(%dma_start3A_45 : memref<10240x128xf32, #tpu.memory_space<hbm>>) target(%arg10 : memref<128x128xf32, #tpu.memory_space<vmem>>) offsets(%arg6 : memref<128xi32, #tpu.memory_space<vmem>>) semaphore(%arg13 : memref<!tpu.dma_semaphore, #tpu.memory_space<semaphore_mem>>)
      } else {
      }
      %dma_wait3A_27 = arith.constant 0 : i32
      %dma_wait3A_28 = arith.constant 0 : i32
      %dma_wait3A_29 = tpu.memref_slice %arg2[%dma_wait3A_27, %dma_wait3A_28] : memref<10240x128xf32, #tpu.memory_space<hbm>> -> memref<10240x128xf32, #tpu.memory_space<hbm>>
      tpu.wait_indirect_dma semaphore(%arg14 : memref<!tpu.dma_semaphore, #tpu.memory_space<semaphore_mem>>) src(%dma_wait3A_29 : memref<10240x128xf32, #tpu.memory_space<hbm>>) dst(%arg11 : memref<128x128xf32, #tpu.memory_space<vmem>>)
      "tpu.region"() ({
        %run_scoped3A_37 = tpu.sem_alloc : memref<!tpu.dma_semaphore, #tpu.memory_space<semaphore_mem>>
        %dma_start3A_38 = arith.constant 0 : i32
        %dma_start3A_39 = arith.constant 0 : i32
        %dma_start3A_40 = tpu.memref_slice %arg12[%dma_start3A_38, %dma_start3A_39] : memref<10240x128xf32, #tpu.memory_space<vmem_shared>> -> memref<10240x128xf32, #tpu.memory_space<vmem_shared>>
        tpu.enqueue_indirect_dma source(%arg11 : memref<128x128xf32, #tpu.memory_space<vmem>>) target(%dma_start3A_40 : memref<10240x128xf32, #tpu.memory_space<vmem_shared>>) offsets(%arg9 : memref<128xi32, #tpu.memory_space<vmem>>) semaphore(%run_scoped3A_37 : memref<!tpu.dma_semaphore, #tpu.memory_space<semaphore_mem>>) {add = true}
        %dma_wait3A_41 = arith.constant 0 : i32
        %dma_wait3A_42 = arith.constant 0 : i32
        %dma_wait3A_43 = tpu.memref_slice %arg12[%dma_wait3A_41, %dma_wait3A_42] : memref<10240x128xf32, #tpu.memory_space<vmem_shared>> -> memref<10240x128xf32, #tpu.memory_space<vmem_shared>>
        tpu.wait_indirect_dma semaphore(%run_scoped3A_37 : memref<!tpu.dma_semaphore, #tpu.memory_space<semaphore_mem>>) src(%arg11 : memref<128x128xf32, #tpu.memory_space<vmem>>) dst(%dma_wait3A_43 : memref<10240x128xf32, #tpu.memory_space<vmem_shared>>)
        tpu.yield
      }) : () -> ()
      %add3A_30 = arith.constant 3 : i32
      %add3A_31 = arith.addi %mul3A_21, %add3A_30 : i32
      %lt3A_32 = arith.constant 80 : i32
      %lt3A_33 = arith.cmpi slt, %add3A_31, %lt3A_32 : i32
      %convert_element_type3A_34 = arith.extui %lt3A_33 : i1 to i32
      %cond3A_35 = arith.constant 0 : i32
      %cond3A_36 = arith.cmpi ne, %convert_element_type3A_34, %cond3A_35 : i32
      scf.if %cond3A_36 {
        %add3A_37 = arith.constant 3 : i32
        %add3A_38 = arith.addi %mul3A_21, %add3A_37 : i32
        %run_scoped3A_39 = arith.constant 0 : i32
        "tpu.region"() ({
          %run_scoped3A_46 = tpu.sem_alloc : memref<!tpu.dma_semaphore, #tpu.memory_space<semaphore_mem>>
          %dma_start3A_47 = arith.constant 0 : i32
          %dma_start3A_48 = tpu.memref_slice %arg3[%run_scoped3A_39, %arg0, %arg1, %add3A_38, %dma_start3A_47] : memref<2x2x16x80x128xi32, #tpu.memory_space<hbm>> -> memref<1x1x1x1x128xi32, #tpu.memory_space<hbm>>
          %dma_start3A_49 = tpu.memref_squeeze %dma_start3A_48 : memref<1x1x1x1x128xi32, #tpu.memory_space<hbm>> -> memref<128xi32, #tpu.memory_space<hbm>>
          %dma_start3A_50 = arith.constant 0 : i32
          %dma_start3A_51 = tpu.memref_slice %arg3[%run_scoped3A_39, %arg0, %arg1, %add3A_38, %dma_start3A_50] : memref<2x2x16x80x128xi32, #tpu.memory_space<hbm>> -> memref<1x1x1x1x128xi32, #tpu.memory_space<hbm>>
          %dma_start3A_52 = tpu.memref_squeeze %dma_start3A_51 : memref<1x1x1x1x128xi32, #tpu.memory_space<hbm>> -> memref<128xi32, #tpu.memory_space<hbm>>
          tpu.enqueue_dma source(%dma_start3A_52 : memref<128xi32, #tpu.memory_space<hbm>>) target(%arg7 : memref<128xi32, #tpu.memory_space<vmem>>) target_semaphore(%run_scoped3A_46 : memref<!tpu.dma_semaphore, #tpu.memory_space<semaphore_mem>>)
          %dma_wait3A_53 = arith.constant 0 : i32
          %dma_wait3A_54 = tpu.memref_slice %arg3[%run_scoped3A_39, %arg0, %arg1, %add3A_38, %dma_wait3A_53] : memref<2x2x16x80x128xi32, #tpu.memory_space<hbm>> -> memref<1x1x1x1x128xi32, #tpu.memory_space<hbm>>
          %dma_wait3A_55 = tpu.memref_squeeze %dma_wait3A_54 : memref<1x1x1x1x128xi32, #tpu.memory_space<hbm>> -> memref<128xi32, #tpu.memory_space<hbm>>
          %dma_wait3A_56 = arith.constant 0 : i32
          %dma_wait3A_57 = tpu.memref_slice %arg3[%run_scoped3A_39, %arg0, %arg1, %add3A_38, %dma_wait3A_56] : memref<2x2x16x80x128xi32, #tpu.memory_space<hbm>> -> memref<1x1x1x1x128xi32, #tpu.memory_space<hbm>>
          %dma_wait3A_58 = tpu.memref_squeeze %dma_wait3A_57 : memref<1x1x1x1x128xi32, #tpu.memory_space<hbm>> -> memref<128xi32, #tpu.memory_space<hbm>>
          tpu.wait_dma2 semaphore(%run_scoped3A_46 : memref<!tpu.dma_semaphore, #tpu.memory_space<semaphore_mem>>) src(%dma_wait3A_58 : memref<128xi32, #tpu.memory_space<hbm>>) dst(%arg7 : memref<128xi32, #tpu.memory_space<vmem>>)
          tpu.yield
        }) : () -> ()
        %add3A_40 = arith.constant 3 : i32
        %add3A_41 = arith.addi %mul3A_21, %add3A_40 : i32
        %run_scoped3A_42 = arith.constant 1 : i32
        "tpu.region"() ({
          %run_scoped3A_46 = tpu.sem_alloc : memref<!tpu.dma_semaphore, #tpu.memory_space<semaphore_mem>>
          %dma_start3A_47 = arith.constant 0 : i32
          %dma_start3A_48 = tpu.memref_slice %arg3[%run_scoped3A_42, %arg0, %arg1, %add3A_41, %dma_start3A_47] : memref<2x2x16x80x128xi32, #tpu.memory_space<hbm>> -> memref<1x1x1x1x128xi32, #tpu.memory_space<hbm>>
          %dma_start3A_49 = tpu.memref_squeeze %dma_start3A_48 : memref<1x1x1x1x128xi32, #tpu.memory_space<hbm>> -> memref<128xi32, #tpu.memory_space<hbm>>
          %dma_start3A_50 = arith.constant 0 : i32
          %dma_start3A_51 = tpu.memref_slice %arg3[%run_scoped3A_42, %arg0, %arg1, %add3A_41, %dma_start3A_50] : memref<2x2x16x80x128xi32, #tpu.memory_space<hbm>> -> memref<1x1x1x1x128xi32, #tpu.memory_space<hbm>>
          %dma_start3A_52 = tpu.memref_squeeze %dma_start3A_51 : memref<1x1x1x1x128xi32, #tpu.memory_space<hbm>> -> memref<128xi32, #tpu.memory_space<hbm>>
          tpu.enqueue_dma source(%dma_start3A_52 : memref<128xi32, #tpu.memory_space<hbm>>) target(%arg9 : memref<128xi32, #tpu.memory_space<vmem>>) target_semaphore(%run_scoped3A_46 : memref<!tpu.dma_semaphore, #tpu.memory_space<semaphore_mem>>)
          %dma_wait3A_53 = arith.constant 0 : i32
          %dma_wait3A_54 = tpu.memref_slice %arg3[%run_scoped3A_42, %arg0, %arg1, %add3A_41, %dma_wait3A_53] : memref<2x2x16x80x128xi32, #tpu.memory_space<hbm>> -> memref<1x1x1x1x128xi32, #tpu.memory_space<hbm>>
          %dma_wait3A_55 = tpu.memref_squeeze %dma_wait3A_54 : memref<1x1x1x1x128xi32, #tpu.memory_space<hbm>> -> memref<128xi32, #tpu.memory_space<hbm>>
          %dma_wait3A_56 = arith.constant 0 : i32
          %dma_wait3A_57 = tpu.memref_slice %arg3[%run_scoped3A_42, %arg0, %arg1, %add3A_41, %dma_wait3A_56] : memref<2x2x16x80x128xi32, #tpu.memory_space<hbm>> -> memref<1x1x1x1x128xi32, #tpu.memory_space<hbm>>
          %dma_wait3A_58 = tpu.memref_squeeze %dma_wait3A_57 : memref<1x1x1x1x128xi32, #tpu.memory_space<hbm>> -> memref<128xi32, #tpu.memory_space<hbm>>
          tpu.wait_dma2 semaphore(%run_scoped3A_46 : memref<!tpu.dma_semaphore, #tpu.memory_space<semaphore_mem>>) src(%dma_wait3A_58 : memref<128xi32, #tpu.memory_space<hbm>>) dst(%arg9 : memref<128xi32, #tpu.memory_space<vmem>>)
          tpu.yield
        }) : () -> ()
        %dma_start3A_43 = arith.constant 0 : i32
        %dma_start3A_44 = arith.constant 0 : i32
        %dma_start3A_45 = tpu.memref_slice %arg2[%dma_start3A_43, %dma_start3A_44] : memref<10240x128xf32, #tpu.memory_space<hbm>> -> memref<10240x128xf32, #tpu.memory_space<hbm>>
        tpu.enqueue_indirect_dma source(%dma_start3A_45 : memref<10240x128xf32, #tpu.memory_space<hbm>>) target(%arg11 : memref<128x128xf32, #tpu.memory_space<vmem>>) offsets(%arg7 : memref<128xi32, #tpu.memory_space<vmem>>) semaphore(%arg14 : memref<!tpu.dma_semaphore, #tpu.memory_space<semaphore_mem>>)
      } else {
      }
    }
    %scan3A_17 = arith.constant 40 : i32
    %barrier3A_18 = arith.constant 0 : index
    tpu.barrier barrier_id(%barrier3A_18)
    "tpu.region"() ({
      %run_scoped3A_19 = tpu.sem_alloc : memref<!tpu.dma_semaphore, #tpu.memory_space<semaphore_mem>>
      %dma_start3A_20 = arith.constant 0 : i32
      %dma_start3A_21 = tpu.memref_slice %arg5[%arg0, %mul3A_0, %dma_start3A_20] : memref<2x10240x128xf32, #tpu.memory_space<hbm>> -> memref<1x640x128xf32, #tpu.memory_space<hbm>>
      %dma_start3A_22 = tpu.memref_squeeze %dma_start3A_21 : memref<1x640x128xf32, #tpu.memory_space<hbm>> -> memref<640x128xf32, #tpu.memory_space<hbm>>
      %dma_start3A_23 = arith.constant 0 : i32
      %dma_start3A_24 = tpu.memref_slice %arg12[%mul3A_0, %dma_start3A_23] : memref<10240x128xf32, #tpu.memory_space<vmem_shared>> -> memref<640x128xf32, #tpu.memory_space<vmem_shared>>
      tpu.enqueue_dma source(%dma_start3A_24 : memref<640x128xf32, #tpu.memory_space<vmem_shared>>) target(%dma_start3A_22 : memref<640x128xf32, #tpu.memory_space<hbm>>) target_semaphore(%run_scoped3A_19 : memref<!tpu.dma_semaphore, #tpu.memory_space<semaphore_mem>>)
      %dma_wait3A = arith.constant 0 : i32
      %dma_wait3A_25 = tpu.memref_slice %arg5[%arg0, %mul3A_0, %dma_wait3A] : memref<2x10240x128xf32, #tpu.memory_space<hbm>> -> memref<1x640x128xf32, #tpu.memory_space<hbm>>
      %dma_wait3A_26 = tpu.memref_squeeze %dma_wait3A_25 : memref<1x640x128xf32, #tpu.memory_space<hbm>> -> memref<640x128xf32, #tpu.memory_space<hbm>>
      %dma_wait3A_27 = arith.constant 0 : i32
      %dma_wait3A_28 = tpu.memref_slice %arg12[%mul3A_0, %dma_wait3A_27] : memref<10240x128xf32, #tpu.memory_space<vmem_shared>> -> memref<640x128xf32, #tpu.memory_space<vmem_shared>>
      tpu.wait_dma2 semaphore(%run_scoped3A_19 : memref<!tpu.dma_semaphore, #tpu.memory_space<semaphore_mem>>) src(%dma_wait3A_28 : memref<640x128xf32, #tpu.memory_space<vmem_shared>>) dst(%dma_wait3A_26 : memref<640x128xf32, #tpu.memory_space<hbm>>)
      tpu.yield
    }) : () -> ()
    return
  }
}

module attributes {stable_mosaic.version = 14 : i64} {
  func.func @_tc_mlp_body(%arg0: i32, %arg1: memref<320x128xf32, #tpu.memory_space<vmem>>, %arg2: memref<128x128xf32, #tpu.memory_space<vmem>>, %arg3: memref<1x128xf32, #tpu.memory_space<vmem>>, %arg4: memref<128x256xf32, #tpu.memory_space<vmem>>, %arg5: memref<1x256xf32, #tpu.memory_space<vmem>>, %arg6: memref<256x128xf32, #tpu.memory_space<vmem>>, %arg7: memref<2x320x128xf32, #tpu.memory_space<vmem>>, %arg8: memref<320x128xf32, #tpu.memory_space<vmem>>) attributes {dimension_semantics = [#tpu.dimension_semantics<arbitrary>], iteration_bounds = array<i64: 32>, scalar_prefetch = 0 : i64, scratch_operands = 0 : i64, tpu.core_type = #tpu.core_type<tc>, window_params = [{transform_indices = @transform_0, window_bounds = array<i64: 320, 128>}, {pipeline_mode = #tpu.pipeline_mode<synchronous>, transform_indices = @transform_1, window_bounds = array<i64: 128, 128>}, {pipeline_mode = #tpu.pipeline_mode<synchronous>, transform_indices = @transform_2, window_bounds = array<i64: 1, 128>}, {pipeline_mode = #tpu.pipeline_mode<synchronous>, transform_indices = @transform_3, window_bounds = array<i64: 128, 256>}, {pipeline_mode = #tpu.pipeline_mode<synchronous>, transform_indices = @transform_4, window_bounds = array<i64: 1, 256>}, {pipeline_mode = #tpu.pipeline_mode<synchronous>, transform_indices = @transform_5, window_bounds = array<i64: 256, 128>}, {transform_indices = @transform_6, window_bounds = array<i64: 2, 320, 128>}, {transform_indices = @transform_7, window_bounds = array<i64: 320, 128>}]} {
    %get3A = arith.constant 0 : index
    %get3A_0 = arith.constant 0 : index
    %get3A_1 = vector.load %arg1[%get3A, %get3A_0] : memref<320x128xf32, #tpu.memory_space<vmem>>, vector<320x128xf32>
    %get3A_2 = arith.constant 0 : index
    %get3A_3 = arith.constant 0 : index
    %get3A_4 = vector.load %arg2[%get3A_2, %get3A_3] : memref<128x128xf32, #tpu.memory_space<vmem>>, vector<128x128xf32>
    %dot_general3A = arith.constant dense<0.000000e+00> : vector<320x128xf32>
    %dot_general3A_5 = tpu.matmul %get3A_1, %get3A_4, %dot_general3A {dimension_numbers = #tpu.dot_dimension_numbers<[1], [0], [0], [1], [0, 0, 1, 1], [], []>, transpose_lhs_hint = false} : vector<320x128xf32>, vector<128x128xf32>, vector<320x128xf32> -> vector<320x128xf32>
    %get3A_6 = arith.constant 0 : index
    %get3A_7 = arith.constant 0 : index
    %get3A_8 = vector.load %arg3[%get3A_6, %get3A_7] : memref<1x128xf32, #tpu.memory_space<vmem>>, vector<1x128xf32>
    %add3A = vector.broadcast %get3A_8 : vector<1x128xf32> to vector<320x128xf32>
    %add3A_9 = arith.addf %dot_general3A_5, %add3A : vector<320x128xf32>
    %max3A = arith.constant 0.000000e+00 : f32
    %max3A_10 = vector.broadcast %max3A : f32 to vector<320x128xf32>
    %max3A_11 = arith.maximumf %add3A_9, %max3A_10 : vector<320x128xf32>
    %get3A_12 = arith.constant 0 : index
    %get3A_13 = arith.constant 0 : index
    %get3A_14 = vector.load %arg4[%get3A_12, %get3A_13] : memref<128x256xf32, #tpu.memory_space<vmem>>, vector<128x256xf32>
    %dot_general3A_15 = arith.constant dense<0.000000e+00> : vector<320x256xf32>
    %dot_general3A_16 = tpu.matmul %max3A_11, %get3A_14, %dot_general3A_15 {dimension_numbers = #tpu.dot_dimension_numbers<[1], [0], [0], [1], [0, 0, 1, 1], [], []>, transpose_lhs_hint = false} : vector<320x128xf32>, vector<128x256xf32>, vector<320x256xf32> -> vector<320x256xf32>
    %get3A_17 = arith.constant 0 : index
    %get3A_18 = arith.constant 0 : index
    %get3A_19 = vector.load %arg5[%get3A_17, %get3A_18] : memref<1x256xf32, #tpu.memory_space<vmem>>, vector<1x256xf32>
    %add3A_20 = vector.broadcast %get3A_19 : vector<1x256xf32> to vector<320x256xf32>
    %add3A_21 = arith.addf %dot_general3A_16, %add3A_20 : vector<320x256xf32>
    %get3A_22 = arith.constant 0 : index
    %get3A_23 = arith.constant 0 : index
    %get3A_24 = vector.load %arg6[%get3A_22, %get3A_23] : memref<256x128xf32, #tpu.memory_space<vmem>>, vector<256x128xf32>
    %dot_general3A_25 = arith.constant dense<0.000000e+00> : vector<320x128xf32>
    %dot_general3A_26 = tpu.matmul %add3A_21, %get3A_24, %dot_general3A_25 {dimension_numbers = #tpu.dot_dimension_numbers<[1], [0], [0], [1], [0, 0, 1, 1], [], []>, transpose_lhs_hint = false} : vector<320x256xf32>, vector<256x128xf32>, vector<320x128xf32> -> vector<320x128xf32>
    %get3A_27 = arith.constant 0 : index
    %get3A_28 = arith.constant 0 : index
    %get3A_29 = arith.constant 0 : index
    %get3A_30 = vector.load %arg7[%get3A_27, %get3A_28, %get3A_29] : memref<2x320x128xf32, #tpu.memory_space<vmem>>, vector<1x320x1xf32>
    %get3A_31 = vector.shape_cast %get3A_30 : vector<1x320x1xf32> to vector<320x1xf32>
    %get3A_32 = arith.constant 1 : index
    %get3A_33 = arith.constant 0 : index
    %get3A_34 = arith.constant 0 : index
    %get3A_35 = vector.load %arg7[%get3A_32, %get3A_33, %get3A_34] : memref<2x320x128xf32, #tpu.memory_space<vmem>>, vector<1x320x1xf32>
    %get3A_36 = vector.shape_cast %get3A_35 : vector<1x320x1xf32> to vector<320x1xf32>
    %add3A_37 = arith.addf %get3A_31, %get3A_36 : vector<320x1xf32>
    %add3A_38 = arith.constant 1.000000e+00 : f32
    %add3A_39 = vector.broadcast %add3A_38 : f32 to vector<320x1xf32>
    %add3A_40 = arith.addf %add3A_37, %add3A_39 : vector<320x1xf32>
    %rsqrt3A = math.rsqrt %add3A_40 : vector<320x1xf32>
    %mul3A = vector.broadcast %rsqrt3A : vector<320x1xf32> to vector<320x128xf32>
    %mul3A_41 = arith.mulf %dot_general3A_26, %mul3A : vector<320x128xf32>
    %swap3A = arith.constant 0 : index
    %swap3A_42 = arith.constant 0 : index
    %swap3A_43 = vector.load %arg8[%swap3A, %swap3A_42] : memref<320x128xf32, #tpu.memory_space<vmem>>, vector<320x128xf32>
    tpu.vector_store %arg8[%swap3A, %swap3A_42], %mul3A_41 {strides = array<i32>} : memref<320x128xf32, #tpu.memory_space<vmem>>, vector<320x128xf32>,
    return
  }
  func.func @transform_0(%arg0: i32) -> (i32, i32) {
    %c0_i32 = arith.constant 0 : i32
    %c0_i32_0 = arith.constant 0 : i32
    return %arg0, %c0_i32 : i32, i32
  }
  func.func @transform_1(%arg0: i32) -> (i32, i32) {
    %c0_i32 = arith.constant 0 : i32
    %c0_i32_0 = arith.constant 0 : i32
    %c0_i32_1 = arith.constant 0 : i32
    return %c0_i32, %c0_i32_0 : i32, i32
  }
  func.func @transform_2(%arg0: i32) -> (i32, i32) {
    %c0_i32 = arith.constant 0 : i32
    %c0_i32_0 = arith.constant 0 : i32
    %c0_i32_1 = arith.constant 0 : i32
    return %c0_i32, %c0_i32_0 : i32, i32
  }
  func.func @transform_3(%arg0: i32) -> (i32, i32) {
    %c0_i32 = arith.constant 0 : i32
    %c0_i32_0 = arith.constant 0 : i32
    %c0_i32_1 = arith.constant 0 : i32
    return %c0_i32, %c0_i32_0 : i32, i32
  }
  func.func @transform_4(%arg0: i32) -> (i32, i32) {
    %c0_i32 = arith.constant 0 : i32
    %c0_i32_0 = arith.constant 0 : i32
    %c0_i32_1 = arith.constant 0 : i32
    return %c0_i32, %c0_i32_0 : i32, i32
  }
  func.func @transform_5(%arg0: i32) -> (i32, i32) {
    %c0_i32 = arith.constant 0 : i32
    %c0_i32_0 = arith.constant 0 : i32
    %c0_i32_1 = arith.constant 0 : i32
    return %c0_i32, %c0_i32_0 : i32, i32
  }
  func.func @transform_6(%arg0: i32) -> (i32, i32, i32) {
    %c0_i32 = arith.constant 0 : i32
    %c0_i32_0 = arith.constant 0 : i32
    %c0_i32_1 = arith.constant 0 : i32
    return %c0_i32, %arg0, %c0_i32_0 : i32, i32, i32
  }
  func.func @transform_7(%arg0: i32) -> (i32, i32) {
    %c0_i32 = arith.constant 0 : i32
    %c0_i32_0 = arith.constant 0 : i32
    return %arg0, %c0_i32 : i32, i32
  }
}

module attributes {stable_mosaic.version = 14 : i64} {
  func.func @_tc_mid_body(%arg0: i32, %arg1: memref<2x320x128xf32, #tpu.memory_space<vmem>>, %arg2: memref<320x128xf32, #tpu.memory_space<vmem>>, %arg3: memref<2x320x128xf32, #tpu.memory_space<vmem>>, %arg4: memref<1x128xf32, #tpu.memory_space<vmem>>, %arg5: memref<128x128xf32, #tpu.memory_space<vmem>>, %arg6: memref<320x128xf32, #tpu.memory_space<vmem>>) attributes {dimension_semantics = [#tpu.dimension_semantics<arbitrary>], iteration_bounds = array<i64: 32>, scalar_prefetch = 0 : i64, scratch_operands = 0 : i64, tpu.core_type = #tpu.core_type<tc>, window_params = [{transform_indices = @transform_0, window_bounds = array<i64: 2, 320, 128>}, {transform_indices = @transform_1, window_bounds = array<i64: 320, 128>}, {transform_indices = @transform_2, window_bounds = array<i64: 2, 320, 128>}, {pipeline_mode = #tpu.pipeline_mode<synchronous>, transform_indices = @transform_3, window_bounds = array<i64: 1, 128>}, {pipeline_mode = #tpu.pipeline_mode<synchronous>, transform_indices = @transform_4, window_bounds = array<i64: 128, 128>}, {transform_indices = @transform_5, window_bounds = array<i64: 320, 128>}]} {
    %get3A = arith.constant 0 : index
    %get3A_0 = arith.constant 0 : index
    %get3A_1 = arith.constant 0 : index
    %get3A_2 = vector.load %arg3[%get3A, %get3A_0, %get3A_1] : memref<2x320x128xf32, #tpu.memory_space<vmem>>, vector<1x320x1xf32>
    %get3A_3 = vector.shape_cast %get3A_2 : vector<1x320x1xf32> to vector<320x1xf32>
    %get3A_4 = arith.constant 1 : index
    %get3A_5 = arith.constant 0 : index
    %get3A_6 = arith.constant 0 : index
    %get3A_7 = vector.load %arg3[%get3A_4, %get3A_5, %get3A_6] : memref<2x320x128xf32, #tpu.memory_space<vmem>>, vector<1x320x1xf32>
    %get3A_8 = vector.shape_cast %get3A_7 : vector<1x320x1xf32> to vector<320x1xf32>
    %add3A = arith.addf %get3A_3, %get3A_8 : vector<320x1xf32>
    %add3A_9 = arith.constant 1.000000e+00 : f32
    %add3A_10 = vector.broadcast %add3A_9 : f32 to vector<320x1xf32>
    %add3A_11 = arith.addf %add3A, %add3A_10 : vector<320x1xf32>
    %rsqrt3A = math.rsqrt %add3A_11 : vector<320x1xf32>
    %get3A_12 = arith.constant 0 : index
    %get3A_13 = arith.constant 0 : index
    %get3A_14 = arith.constant 0 : index
    %get3A_15 = vector.load %arg1[%get3A_12, %get3A_13, %get3A_14] : memref<2x320x128xf32, #tpu.memory_space<vmem>>, vector<1x320x128xf32>
    %get3A_16 = vector.shape_cast %get3A_15 : vector<1x320x128xf32> to vector<320x128xf32>
    %get3A_17 = arith.constant 1 : index
    %get3A_18 = arith.constant 0 : index
    %get3A_19 = arith.constant 0 : index
    %get3A_20 = vector.load %arg1[%get3A_17, %get3A_18, %get3A_19] : memref<2x320x128xf32, #tpu.memory_space<vmem>>, vector<1x320x128xf32>
    %get3A_21 = vector.shape_cast %get3A_20 : vector<1x320x128xf32> to vector<320x128xf32>
    %add3A_22 = arith.addf %get3A_16, %get3A_21 : vector<320x128xf32>
    %get3A_23 = arith.constant 0 : index
    %get3A_24 = arith.constant 0 : index
    %get3A_25 = vector.load %arg2[%get3A_23, %get3A_24] : memref<320x128xf32, #tpu.memory_space<vmem>>, vector<320x128xf32>
    %add3A_26 = arith.addf %add3A_22, %get3A_25 : vector<320x128xf32>
    %mul3A = vector.broadcast %rsqrt3A : vector<320x1xf32> to vector<320x128xf32>
    %mul3A_27 = arith.mulf %add3A_26, %mul3A : vector<320x128xf32>
    %get3A_28 = arith.constant 0 : index
    %get3A_29 = arith.constant 0 : index
    %get3A_30 = vector.load %arg4[%get3A_28, %get3A_29] : memref<1x128xf32, #tpu.memory_space<vmem>>, vector<1x128xf32>
    %add3A_31 = vector.broadcast %get3A_30 : vector<1x128xf32> to vector<320x128xf32>
    %add3A_32 = arith.addf %mul3A_27, %add3A_31 : vector<320x128xf32>
    %max3A = arith.constant 0.000000e+00 : f32
    %max3A_33 = vector.broadcast %max3A : f32 to vector<320x128xf32>
    %max3A_34 = arith.maximumf %add3A_32, %max3A_33 : vector<320x128xf32>
    %get3A_35 = arith.constant 0 : index
    %get3A_36 = arith.constant 0 : index
    %get3A_37 = vector.load %arg5[%get3A_35, %get3A_36] : memref<128x128xf32, #tpu.memory_space<vmem>>, vector<128x128xf32>
    %dot_general3A = arith.constant dense<0.000000e+00> : vector<320x128xf32>
    %dot_general3A_38 = tpu.matmul %max3A_34, %get3A_37, %dot_general3A {dimension_numbers = #tpu.dot_dimension_numbers<[1], [0], [0], [1], [0, 0, 1, 1], [], []>, transpose_lhs_hint = false} : vector<320x128xf32>, vector<128x128xf32>, vector<320x128xf32> -> vector<320x128xf32>
    %mul3A_39 = vector.broadcast %rsqrt3A : vector<320x1xf32> to vector<320x128xf32>
    %mul3A_40 = arith.mulf %dot_general3A_38, %mul3A_39 : vector<320x128xf32>
    %swap3A = arith.constant 0 : index
    %swap3A_41 = arith.constant 0 : index
    %swap3A_42 = vector.load %arg6[%swap3A, %swap3A_41] : memref<320x128xf32, #tpu.memory_space<vmem>>, vector<320x128xf32>
    tpu.vector_store %arg6[%swap3A, %swap3A_41], %mul3A_40 {strides = array<i32>} : memref<320x128xf32, #tpu.memory_space<vmem>>, vector<320x128xf32>,
    return
  }
  func.func @transform_0(%arg0: i32) -> (i32, i32, i32) {
    %c0_i32 = arith.constant 0 : i32
    %c0_i32_0 = arith.constant 0 : i32
    %c0_i32_1 = arith.constant 0 : i32
    return %c0_i32, %arg0, %c0_i32_0 : i32, i32, i32
  }
  func.func @transform_1(%arg0: i32) -> (i32, i32) {
    %c0_i32 = arith.constant 0 : i32
    %c0_i32_0 = arith.constant 0 : i32
    return %arg0, %c0_i32 : i32, i32
  }
  func.func @transform_2(%arg0: i32) -> (i32, i32, i32) {
    %c0_i32 = arith.constant 0 : i32
    %c0_i32_0 = arith.constant 0 : i32
    %c0_i32_1 = arith.constant 0 : i32
    return %c0_i32, %arg0, %c0_i32_0 : i32, i32, i32
  }
  func.func @transform_3(%arg0: i32) -> (i32, i32) {
    %c0_i32 = arith.constant 0 : i32
    %c0_i32_0 = arith.constant 0 : i32
    %c0_i32_1 = arith.constant 0 : i32
    return %c0_i32, %c0_i32_0 : i32, i32
  }
  func.func @transform_4(%arg0: i32) -> (i32, i32) {
    %c0_i32 = arith.constant 0 : i32
    %c0_i32_0 = arith.constant 0 : i32
    %c0_i32_1 = arith.constant 0 : i32
    return %c0_i32, %c0_i32_0 : i32, i32
  }
  func.func @transform_5(%arg0: i32) -> (i32, i32) {
    %c0_i32 = arith.constant 0 : i32
    %c0_i32_0 = arith.constant 0 : i32
    return %arg0, %c0_i32 : i32, i32
  }
}

module attributes {stable_mosaic.version = 14 : i64} {
  func.func @_tc_out_body(%arg0: i32, %arg1: memref<2x400x128xf32, #tpu.memory_space<vmem>>, %arg2: memref<400x128xf32, #tpu.memory_space<vmem>>, %arg3: memref<2x400x128xf32, #tpu.memory_space<vmem>>, %arg4: memref<1x128xf32, #tpu.memory_space<vmem>>, %arg5: memref<400x128xf32, #tpu.memory_space<vmem>>) attributes {dimension_semantics = [#tpu.dimension_semantics<arbitrary>], iteration_bounds = array<i64: 25>, scalar_prefetch = 0 : i64, scratch_operands = 0 : i64, tpu.core_type = #tpu.core_type<tc>, window_params = [{transform_indices = @transform_0, window_bounds = array<i64: 2, 400, 128>}, {transform_indices = @transform_1, window_bounds = array<i64: 400, 128>}, {transform_indices = @transform_2, window_bounds = array<i64: 2, 400, 128>}, {pipeline_mode = #tpu.pipeline_mode<synchronous>, transform_indices = @transform_3, window_bounds = array<i64: 1, 128>}, {transform_indices = @transform_4, window_bounds = array<i64: 400, 128>}]} {
    %get3A = arith.constant 0 : index
    %get3A_0 = arith.constant 0 : index
    %get3A_1 = arith.constant 0 : index
    %get3A_2 = vector.load %arg3[%get3A, %get3A_0, %get3A_1] : memref<2x400x128xf32, #tpu.memory_space<vmem>>, vector<1x400x1xf32>
    %get3A_3 = vector.shape_cast %get3A_2 : vector<1x400x1xf32> to vector<400x1xf32>
    %get3A_4 = arith.constant 1 : index
    %get3A_5 = arith.constant 0 : index
    %get3A_6 = arith.constant 0 : index
    %get3A_7 = vector.load %arg3[%get3A_4, %get3A_5, %get3A_6] : memref<2x400x128xf32, #tpu.memory_space<vmem>>, vector<1x400x1xf32>
    %get3A_8 = vector.shape_cast %get3A_7 : vector<1x400x1xf32> to vector<400x1xf32>
    %add3A = arith.addf %get3A_3, %get3A_8 : vector<400x1xf32>
    %add3A_9 = arith.constant 1.000000e+00 : f32
    %add3A_10 = vector.broadcast %add3A_9 : f32 to vector<400x1xf32>
    %add3A_11 = arith.addf %add3A, %add3A_10 : vector<400x1xf32>
    %rsqrt3A = math.rsqrt %add3A_11 : vector<400x1xf32>
    %get3A_12 = arith.constant 0 : index
    %get3A_13 = arith.constant 0 : index
    %get3A_14 = arith.constant 0 : index
    %get3A_15 = vector.load %arg1[%get3A_12, %get3A_13, %get3A_14] : memref<2x400x128xf32, #tpu.memory_space<vmem>>, vector<1x400x128xf32>
    %get3A_16 = vector.shape_cast %get3A_15 : vector<1x400x128xf32> to vector<400x128xf32>
    %get3A_17 = arith.constant 1 : index
    %get3A_18 = arith.constant 0 : index
    %get3A_19 = arith.constant 0 : index
    %get3A_20 = vector.load %arg1[%get3A_17, %get3A_18, %get3A_19] : memref<2x400x128xf32, #tpu.memory_space<vmem>>, vector<1x400x128xf32>
    %get3A_21 = vector.shape_cast %get3A_20 : vector<1x400x128xf32> to vector<400x128xf32>
    %add3A_22 = arith.addf %get3A_16, %get3A_21 : vector<400x128xf32>
    %get3A_23 = arith.constant 0 : index
    %get3A_24 = arith.constant 0 : index
    %get3A_25 = vector.load %arg2[%get3A_23, %get3A_24] : memref<400x128xf32, #tpu.memory_space<vmem>>, vector<400x128xf32>
    %add3A_26 = arith.addf %add3A_22, %get3A_25 : vector<400x128xf32>
    %mul3A = vector.broadcast %rsqrt3A : vector<400x1xf32> to vector<400x128xf32>
    %mul3A_27 = arith.mulf %add3A_26, %mul3A : vector<400x128xf32>
    %get3A_28 = arith.constant 0 : index
    %get3A_29 = arith.constant 0 : index
    %get3A_30 = vector.load %arg4[%get3A_28, %get3A_29] : memref<1x128xf32, #tpu.memory_space<vmem>>, vector<1x128xf32>
    %add3A_31 = vector.broadcast %get3A_30 : vector<1x128xf32> to vector<400x128xf32>
    %add3A_32 = arith.addf %mul3A_27, %add3A_31 : vector<400x128xf32>
    %logistic3A = arith.negf %add3A_32 : vector<400x128xf32>
    %logistic3A_33 = math.exp %logistic3A : vector<400x128xf32>
    %logistic3A_34 = arith.constant 1.000000e+00 : f32
    %logistic3A_35 = vector.broadcast %logistic3A_34 : f32 to vector<400x128xf32>
    %logistic3A_36 = arith.addf %logistic3A_35, %logistic3A_33 : vector<400x128xf32>
    %logistic3A_37 = arith.divf %logistic3A_35, %logistic3A_36 : vector<400x128xf32>
    %swap3A = arith.constant 0 : index
    %swap3A_38 = arith.constant 0 : index
    %swap3A_39 = vector.load %arg5[%swap3A, %swap3A_38] : memref<400x128xf32, #tpu.memory_space<vmem>>, vector<400x128xf32>
    tpu.vector_store %arg5[%swap3A, %swap3A_38], %logistic3A_37 {strides = array<i32>} : memref<400x128xf32, #tpu.memory_space<vmem>>, vector<400x128xf32>,
    return
  }
  func.func @transform_0(%arg0: i32) -> (i32, i32, i32) {
    %c0_i32 = arith.constant 0 : i32
    %c0_i32_0 = arith.constant 0 : i32
    %c0_i32_1 = arith.constant 0 : i32
    return %c0_i32, %arg0, %c0_i32_0 : i32, i32, i32
  }
  func.func @transform_1(%arg0: i32) -> (i32, i32) {
    %c0_i32 = arith.constant 0 : i32
    %c0_i32_0 = arith.constant 0 : i32
    return %arg0, %c0_i32 : i32, i32
  }
  func.func @transform_2(%arg0: i32) -> (i32, i32, i32) {
    %c0_i32 = arith.constant 0 : i32
    %c0_i32_0 = arith.constant 0 : i32
    %c0_i32_1 = arith.constant 0 : i32
    return %c0_i32, %arg0, %c0_i32_0 : i32, i32, i32
  }
  func.func @transform_3(%arg0: i32) -> (i32, i32) {
    %c0_i32 = arith.constant 0 : i32
    %c0_i32_0 = arith.constant 0 : i32
    %c0_i32_1 = arith.constant 0 : i32
    return %c0_i32, %c0_i32_0 : i32, i32
  }
  func.func @transform_4(%arg0: i32) -> (i32, i32) {
    %c0_i32 = arith.constant 0 : i32
    %c0_i32_0 = arith.constant 0 : i32
    return %arg0, %c0_i32 : i32, i32
  }
}

</mosaic_0001>

<sc_bundles>
// kernel: kernel.11.cloned.1.call-start
scs
__scs_entry_jumppad:
0x0: {  	(pc) =	sbr.rel $0x88, $3  }
0x1: {  	(tag) =	ssettag $0x0;
	lr =	simm.s32 $0x1  }
0x2: {  	[smem:$0x3F97] =	sst lr;
	_ =	strace $0xD0000000  }
0x3: {  	_ = 	snop  }
0x4: {  	_ = 	snop  }
0x5: {  	_ = 	snop  }
0x6: {  	_ = 	snop  }
0x7: {  	_ = 	snop  }
__scs_overlays_trampoline_lowered:
0x8: {  	[smem:$0x3FA6] =	sst s0  }
0x9: {  	[smem:$0x3FA7] =	sst s1  }
0xa: {  	[smem:$0x3FA8] =	sst s2  }
0xb: {  	[smem:$0x3FA9] =	sst s3  }
0xc: {  	[smem:$0x3FAA] =	sst s4  }
0xd: {  	[smem:$0x3FAB] =	sst s5  }
0xe: {  	[smem:$0x3FAC] =	sst s6  }
0xf: {  	[smem:$0x3FAD] =	sst s7  }
0x10: {  	[smem:$0x3FAE] =	sst s8  }
0x11: {  	[smem:$0x3FAF] =	sst s9;
	s0 =	simm.s32 @!p0 $0x0  }
0x12: {  	s1 =	sld [smem:$0x3F95];
	s0 =	simm.s32 @p0 $0x1  }
0x13: {  	[smem:$0x3FB0] =	sst s0;
	s0 =	simm.s32 @!p1 $0x0  }
0x14: {  	s2 =	sld [smem:$0x3F94];
	s0 =	simm.s32 @p1 $0x1  }
0x15: {  	[smem:$0x3FB1] =	sst s0;
	s0 =	simm.s32 @!p2 $0x0  }
0x16: {  	s3 =	sld [smem:$0x3FDB];
	s0 =	simm.s32 @p2 $0x1  }
0x17: {  	s4 =	simm.s32 $0x1BF5;
	[smem:$0x3FB3] =	sst s0  }
0x18: {  	s0 =	sld [smem:$0x3F96];
	_ =	swait.ge [sflag:s4], $0x0  }
0x19: {  	s7 =	sld [smem:$0x3F97]  }
0x1a: {  	s8 =	sadd.s32 $0xFFFFE003, lr  }
0x1b: {  	s9 =	sadd.s32 $0xFFFFFEF7, lr;
	s5 =	simm.s32 $0xFFFFFFFF;
	p2 =	slt.u32 s8, $0xFFFFF086  }
0x1c: {  	p1 =	slt.u32 s9, $0xF7A;
	s5 =	simm.s32 @!p2 $0x0  }
0x1d: {  	s5 =	simm.s32 @p1 $0x1;
	p0 =	seq.s32 s7, s2  }
0x1e: {  	s7 =	smul.u32 @!p0 $0xF7A, s2;
	p2 =	seq.s32 @!p0 s5, $0x0  }
0x1f: {  	s9 =	smul.u32 $0xF7A, s1;
	s8 =	simm.s32 @!p0 $0x1BF5;
	p2 =	por !p2, p0  }
0x20: {  	[sflag:s8] =	ssyncset.s32 @!p0 $0xFFFFF086;
	s6 =	sadd.s32 @!p0 s3, s7;
	s7 =	simm.s32 @!p0 $0x108  }
0x21: {  	s3 =	sadd.s32 s3, s9;
	s6 =	sadd.s32 @!p0 $0x88, s6;
	s7 =	simm.s32 @p2 $0x1082  }
0x22: {  	[simem:s7], [sflag:s8] =	dma.local @!p0 [hbm:s6], $0xF7A  }
0x23: {  	s9 =	sor.u32 $0xD0000000, s2;
	s6 =	simm.s32 $0x108;
	_ =	swait.ge @!p0 [sflag:s8], $0x0  }
0x24: {  	s3 =	sadd.s32 $0x88, s3;
	s6 =	simm.s32 @!p1 $0x1082;
	[sflag:s4] =	ssyncset.s32 $0xFFFFF086  }
0x25: {  	[simem:s6], [sflag:s4] =	dma.local [hbm:s3], $0xF7A  }
0x26: {  	[smem:$0x3F97] =	sst s1;
	(tag) =	ssettag s2;
	_ =	strace s9  }
0x27: {  	s1 =	sld [smem:$0x3FA7]  }
0x28: {  	s2 =	sld [smem:$0x3FA8]  }
0x29: {  	s4 =	sld [smem:$0x3FAA]  }
0x2a: {  	p0 =	seq.s32 s5, $0x0;
	s5 =	sld [smem:$0x3FAB]  }
0x2b: {  	s6 =	sld [smem:$0x3FAC]  }
0x2c: {  	s7 =	sld [smem:$0x3FAD]  }
0x2d: {  	s3 =	simm.s32 $0x108;
	s8 =	sld [smem:$0x3FAE]  }
0x2e: {  	s3 =	simm.s32 @!p0 $0x1082;
	s9 =	sld [smem:$0x3FAF]  }
0x2f: {  	lr =	sadd.s32 s0, s3;
	s0 =	sld [smem:$0x3FA6]  }
0x30: {  	s3 =	sld [smem:$0x3FA9]  }
0x31: {  	[smem:$0x3FB2] =	sst s10  }
0x32: {  	s10 =	sld [smem:$0x3FB0];
	_ =	sdelay $0x3  }
0x33: {  	p0 =	seq.s32 s10, $0x1;
	s10 =	sld [smem:$0x3FB2];
	_ =	sdelay $0x3  }
0x34: {  	[smem:$0x3FB2] =	sst s10  }
0x35: {  	s10 =	sld [smem:$0x3FB1];
	_ =	sdelay $0x3  }
0x36: {  	p1 =	seq.s32 s10, $0x1;
	s10 =	sld [smem:$0x3FB2];
	_ =	sdelay $0x3  }
0x37: {  	[smem:$0x3FB2] =	sst s10  }
0x38: {  	s10 =	sld [smem:$0x3FB3]  }
0x39: {  	_ = 	snop;
	(pc) =	sbr.ind lr, $3  }
0x3a: {  	_ = 	snop  }
0x3b: {  	_ = 	snop  }
0x3c: {  	p2 =	seq.s32 s10, $0x1;
	s10 =	sld [smem:$0x3FB2]  }
0x3d: {  	_ =	shalt  }
0x3e: {  	_ =	shalt  }
0x3f: {  	_ =	shalt  }
0x40: {  	_ =	shalt  }
0x41: {  	_ =	shalt  }
0x42: {  	_ =	shalt  }
0x43: {  	_ =	shalt  }
0x44: {  	_ =	shalt  }
0x45: {  	_ =	shalt  }
0x46: {  	_ =	shalt  }
0x47: {  	_ =	shalt  }
0x48: {  	_ =	shalt  }
0x49: {  	_ =	shalt  }
0x4a: {  	_ =	shalt  }
0x4b: {  	_ =	shalt  }
0x4c: {  	_ =	shalt  }
0x4d: {  	_ =	shalt  }
0x4e: {  	_ =	shalt  }
0x4f: {  	_ =	shalt  }
0x50: {  	_ =	shalt  }
0x51: {  	_ =	shalt  }
0x52: {  	_ =	shalt  }
0x53: {  	_ =	shalt  }
0x54: {  	_ =	shalt  }
0x55: {  	_ =	shalt  }
0x56: {  	_ =	shalt  }
0x57: {  	_ =	shalt  }
0x58: {  	_ =	shalt  }
0x59: {  	_ =	shalt  }
0x5a: {  	_ =	shalt  }
0x5b: {  	_ =	shalt  }
0x5c: {  	_ =	shalt  }
0x5d: {  	_ =	shalt  }
0x5e: {  	_ =	shalt  }
0x5f: {  	_ =	shalt  }
0x60: {  	_ =	shalt  }
0x61: {  	_ =	shalt  }
0x62: {  	_ =	shalt  }
0x63: {  	_ =	shalt  }
0x64: {  	_ =	shalt  }
0x65: {  	_ =	shalt  }
0x66: {  	_ =	shalt  }
0x67: {  	_ =	shalt  }
0x68: {  	_ =	shalt  }
0x69: {  	_ =	shalt  }
0x6a: {  	_ =	shalt  }
0x6b: {  	_ =	shalt  }
0x6c: {  	_ =	shalt  }
0x6d: {  	_ =	shalt  }
0x6e: {  	_ =	shalt  }
0x6f: {  	_ =	shalt  }
0x70: {  	_ =	shalt  }
0x71: {  	_ =	shalt  }
0x72: {  	_ =	shalt  }
0x73: {  	_ =	shalt  }
0x74: {  	_ =	shalt  }
0x75: {  	_ =	shalt  }
0x76: {  	_ =	shalt  }
0x77: {  	_ =	shalt  }
0x78: {  	_ =	shalt  }
0x79: {  	_ =	shalt  }
0x7a: {  	_ =	shalt  }
0x7b: {  	_ =	shalt  }
0x7c: {  	_ =	shalt  }
0x7d: {  	_ =	shalt  }
0x7e: {  	_ =	shalt  }
0x7f: {  	_ =	shalt  }
0x80: {  	_ =	shalt  }
0x81: {  	_ =	shalt  }
0x82: {  	_ =	shalt  }
0x83: {  	_ =	shalt  }
0x84: {  	_ =	shalt  }
0x85: {  	_ =	shalt  }
0x86: {  	_ =	shalt  }
0x87: {  	_ =	shalt  }
.Lfunc_end0:
.L_simem_size_0:
called_computation.1_lowered:
.L_overlay_start_0:
0x88: {  	s2 =	sld [smem:$0x3FD9]  }
0x89: {  	s3 =	sld [smem:$0x3FFE];
	_ =	sdelay $0x1  }
0x8a: {  	s1 =	srdreg.scid  }
0x8b: {  	s0 =	sand.u32 $0x1, s1  }
0x8c: {  	s17 =	sshll.u32 s0, $0xA;
	s2 =	sadd.s32 s3, s2  }
0x8d: {  	s2 =	sadd.s32 s2, s17  }
0x8e: {  	[smem:$0x3FBE] =	sst s2  }
0x8f: {  	_ = 	snop  }
0x90: {  	s2 =	sld [smem:$0x3FD0];
	(tm) =	ssettm $0x1  }
0x91: {  	s18 =	sld [smem:$0x3FFB];
	_ =	sdelay $0x3  }
0x92: {  	_ =	strace s18  }
0x93: {  	s3 =	sld [smem:$0x3FFC];
	_ =	sdelay $0x3  }
0x94: {  	_ =	strace s3  }
0x95: {  	s3 =	sld [smem:$0x3FFD];
	_ =	sdelay $0x3  }
0x96: {  	_ =	strace s3  }
0x97: {  	_ =	strace $0x8FFFFFFF  }
0x98: {  	s19 =	sld [smem:$0x3FDB];
	_ =	sdelay $0x1  }
0x99: {  	s4 =	simm.s32 $_scs_section_size  }
0x9a: {  	s5 =	simm.s32 $_size__tile_overlayer_lowered;
	s6 =	simm.s32 $_tile_overlayer_lowered  }
0x9b: {  	s22 =	simm.s32 $0x1BFF;
	s21 =	sshll.u32 s6, $0x1;
	s3 =	sadd.s32 s4, s19  }
0x9c: {  	s7 =	simm.s32 $0x0;
	s20 =	sshll.u32 s5, $0x1;
	s5 =	sadd.s32 s21, s3  }
0x9d: {  	[timem:s7], [sflag:s22] =	dma.local [hbm:s5], s20  }
0x9e: {  	_ =	swait.ge [sflag:s22], s20  }
0x9f: {  	s4 =	ssub.s32 $0x0, s20;
	[sflag:s22] =	ssyncset.done $0x0  }
0xa0: {  	[sflag:s22] =	ssyncadd.s32 s4;
	_ =	sdelay $0x1  }
0xa1: {  	s23 =	simm.s32 $0x1B8B  }
0xa2: {  	_ =	swait.ge [sflag:s23], $0x1  }
0xa3: {  	[sflag:s23] =	ssyncset.done $0x0  }
0xa4: {  	s25 =	simm.s32 $0x1B8E;
	s24 =	sld [smem:$0x3FFE];
	[sflag:s23] =	ssyncadd.s32 $0xFFFFFFFF  }
0xa5: {  	s26 =	simm.s32 $execute0_lowered;
	[smem:$0x3FD2] =	sst s25  }
0xa6: {  	s5 =	sshll.u32 s26, $0x1;
	_ =	strace $0x80000049;
	[dreg:$0x1] =	wrdreg $0xFFFFFFFF  }
0xa7: {  	s28 =	simm.s32 $_size_execute0_lowered;
	s3 =	sadd.s32 s3, s5;
	[dreg:$0x0] =	wrdreg $0x0  }
0xa8: {  	s5 =	sshll.u32 s28, $0x1;
	[dreg:$0x2] =	wrdreg s3  }
0xa9: {  	[dreg:$0x3] =	wrdreg s5  }
0xaa: {  	[dreg:$0x4] =	wrdreg $0xC0  }
0xab: {  	_ =	task [dreg:s7], $0x5FFFF  }
0xac: {  	[dreg:$0x1] =	wrdreg $0xFFFFFFFF  }
0xad: {  	[dreg:$0x0] =	wrdreg $0x60  }
0xae: {  	[dreg:$0x2] =	wrdreg s24  }
0xaf: {  	[dreg:$0x3] =	wrdreg s2  }
0xb0: {  	[dreg:$0x4] =	wrdreg $0x82000  }
0xb1: {  	[dreg:$0x5] =	wrdreg $0x9  }
0xb2: {  	_ =	task.clear_ibuf [dreg:s7], $0x6FFFF;
	_ =	strace $0x90000049  }
0xb3: {  	s29 =	simm.s32 $0x9;
	_ =	strace $0x8000004B  }
0xb4: {  	_ =	swait.ge [sflag:s29], $0x1  }
0xb5: {  	[sflag:s29] =	ssyncadd.s32 $0xFFFFFFFF  }
0xb6: {  	_ =	strace $0x9000004B  }
0xb7: {  	_ =	sfence  }
0xb8: {  	s30 =	sld [smem:$0x0];
	_ =	sdelay $0x2  }
0xb9: {  	s31 =	sshll.u32 s1, $0xD;
	s1 =	sshrl.u32 s1, $0x2  }
0xba: {  	s3 =	sand.u32 $0x4000, s31;
	s1 =	sadd.s32 s1, s30  }
0xbb: {  	s0 =	sor.u32 s3, s0;
	s1 =	sshll.u32 s1, $0x11  }
0xbc: {  	s0 =	sor.u32 s1, s0  }
0xbd: {  	s0 =	sadd.s32 $0x8F2B, s0  }
0xbe: {  	[sflag:s0] =	ssyncadd.remote.s32 $0x1  }
0xbf: {  	_ =	sfence.sel $0xFFFF  }
0xc0: {  	[dreg:$0x0] =	wrdreg $0xFFFFFFFF;
	(pc) =	sbr.abs _section_cstart, $3  }
0xc1: {  	[dreg:$0x1] =	wrdreg $0xFFFFFFFF  }
0xc2: {  	_ =	task.clear_ibuf [dreg:s7], $0x2FFFF;
	_ =	strace $0x9FFFFFFF  }
0xc3: {  	(tm) =	ssettm $0x7FFFFFFF  }
tec
execute0_lowered:
.L_overlay_start_1:
0x0: {  	(tag) =	ssettag $0x1  }
0x1: {  	s0 =	rddreg [dreg:$0x0]  }
0x2: {  	s2 =	rddreg [dreg:$0x1]  }
0x3: {  	s3 =	rddreg [dreg:$0x2];
	s1 =	stileid.u32  }
0x4: {  	s5 =	srdreg.scid;
	s4 =	simm.s32 $0x0;
	s17 =	simm.s32 $0x3  }
0x5: {  	s18 =	simm.s32 $0x100;
	s19 =	simm.s32 $0x80;
	s20 =	simm.s32 $0x200  }
0x6: {  	s21 =	simm.s32 $0x4200;
	s22 =	simm.s32 $0x1;
	s23 =	simm.s32 $0x2  }
0x7: {  	s24 =	simm.s32 $0x180;
	s25 =	simm.s32 $0x0;
	s6 =	smul.u32 $0x14000, s1  }
0x8: {  	s7 =	sand.u32 $0x1, s5;
	[smem:$0x7FF] =	sst s4;
	s30 =	smul.u32 $0x50000, s1  }
0x9: {  	s5 =	sadd.s32 $0x85C00, s0;
	s12 =	smul.u32 $0x2800, s1;
	s31 =	sshll.u32 s1, $0x6  }
0xa: {  	s14 =	sadd.s32 $0x10, s2;
	s8 =	smul.u32 $0x140000, s7;
	_ =	strace $0x8000004A  }
0xb: {  	s10 =	ssub.s32 $0x2, s7;
	s7 =	smul.u32 $0x28000, s7;
	s9 =	sshrl.u32 s6, $0x3  }
0xc: {  	s11 =	sshrl.u32 s10, $0x1;
	s9 =	sadd.s32 s9, s0;
	s6 =	sadd.s32 s6, s8  }
0xd: {  	s8 =	sshrl.u32 s30, $0x2;
	s15 =	ssub.s32 s10, s11;
	s7 =	sadd.s32 s12, s7  }
0xe: {  	s6 =	sshrl.u32 s6, $0x3;
	s16 =	sadd.s32 s8, s3;
	s8 =	sor.u32 $0x1C03, s31  }
0xf: {  	s12 =	sshrl.u32 s7, $0x3;
	s15 =	smax.u32 s15, $0x1;
	s0 =	sadd.s32 s6, s0  }
0x10: {  	s6 =	sadd.s32 $0xDC00, s9;
	s9 =	sadd.s32 $0x50000, s7;
	s10 =	sadd.s32 s2, s12  }
0x11: {  	s12 =	sadd.s32 s12, s14;
	s16 =	sshrl.u32 s16, $0x3;
	s13 =	sshrl.u32 s9, $0x3  }
0x12: {  	s11 =	sadd.s32 s2, s13;
	s13 =	sadd.s32 s13, s14;
	s14 =	sadd.s32 $0xADC00, s0  }
.LBB2_1:
0x13: {  	[spmem:s16], [sflag:s8] =	dma.local [hbm:s6], $0x2800  }
0x14: {  	_ =	swait.ge [sflag:s17], $0x2800  }
0x15: {  	[sflag:s17] =	ssyncset.done $0x0  }
0x16: {  	[sflag:s17] =	ssyncadd.s32 $0xFFFFD800  }
0x17: {  	[bflag:$0x0] =	sbarrier.arrive $0xFFFF  }
0x18: {  	[tilespmem:s4], [sflag:$0x3] =	stream.linear.gather [hbm4b:s10+s4], $0x80, $0x38;
	[tilespmem:$0x1C200] =	vst v63  }
0x19: {  	_ =	swait.ge [sflag:s17], $0x80  }
0x1a: {  	[sflag:s17] =	ssyncset.done $0x0  }
0x1b: {  	[sflag:s17] =	ssyncadd.s32 $0xFFFFFF80  }
0x1c: {  	[tilespmem:s18], [sflag:$0x3] =	stream.linear.gather [hbm4b:s11+s4], $0x80, $0x38;
	[tilespmem:$0x1C200] =	vst v63  }
0x1d: {  	_ =	swait.ge [sflag:s17], $0x80  }
0x1e: {  	[sflag:s17] =	ssyncset.done $0x0  }
0x1f: {  	[sflag:s17] =	ssyncadd.s32 $0xFFFFFF80  }
0x20: {  	[tilespmem:s20], [sflag:$0x1] =	stream.indirect.gather [hbm4b:s5+s19], $0x80, s4, s19, $0xb8;
	[tilespmem:$0x1C200] =	vst v63  }
0x21: {  	_ = 	snop  }
0x22: {  	[tilespmem:s19], [sflag:$0x3] =	stream.linear.gather [hbm4b:s12+s4], $0x80, $0x38;
	[tilespmem:$0x1C200] =	vst v63  }
0x23: {  	_ =	swait.ge [sflag:s17], $0x80  }
0x24: {  	[sflag:s17] =	ssyncset.done $0x0  }
0x25: {  	[sflag:s17] =	ssyncadd.s32 $0xFFFFFF80  }
0x26: {  	[tilespmem:s24], [sflag:$0x3] =	stream.linear.gather [hbm4b:s13+s4], $0x80, $0x38;
	[tilespmem:$0x1C200] =	vst v63  }
0x27: {  	_ =	swait.ge [sflag:s17], $0x80  }
0x28: {  	[sflag:s17] =	ssyncset.done $0x0  }
0x29: {  	[sflag:s17] =	ssyncadd.s32 $0xFFFFFF80  }
0x2a: {  	[tilespmem:s21], [sflag:$0x2] =	stream.indirect.gather [hbm4b:s5+s19], $0x80, s19, s19, $0xb8;
	[tilespmem:$0x1C200] =	vst v63  }
0x2b: {  	s0 =	simm.s32 $0x100;
	_ =	swait.ge [sflag:s22], $0x4000  }
0x2c: {  	s26 =	sand.u32 $0x7C00, s0;
	[sflag:s22] =	ssyncset.done $0x0  }
0x2d: {  	s0 =	sand.u32 $0x300, s0;
	s28 =	sadd.s32 s7, s26;
	[sflag:s22] =	ssyncadd.s32 $0xFFFFC000  }
0x2e: {  	[spmem:s3] =	stream.indirect.scatter.add.f32 [tilespmem:s20], [sflag:$0x3], $0x80, s18, s19, $0xb8;
	[tilespmem:$0x1C200] =	vst v63  }
0x2f: {  	s28 =	sor.u32 s0, s28;
	_ =	swait.ge [sflag:s17], $0x4000  }
0x30: {  	s28 =	sshrl.u32 s28, $0x3;
	[sflag:s17] =	ssyncset.done $0x0  }
0x31: {  	s26 =	sadd.s32 s9, s26;
	s28 =	sadd.s32 s2, s28;
	[sflag:s17] =	ssyncadd.s32 $0xFFFFC000  }
0x32: {  	[tilespmem:s4], [sflag:$0x3] =	stream.linear.gather [hbm4b:s28+s4], $0x80, $0x38;
	[tilespmem:$0x1C200] =	vst v63  }
0x33: {  	s0 =	sor.u32 s0, s26;
	_ =	swait.ge [sflag:s17], $0x80  }
0x34: {  	s0 =	sshrl.u32 s0, $0x3;
	[sflag:s17] =	ssyncset.done $0x0  }
0x35: {  	s0 =	sadd.s32 s2, s0;
	[sflag:s17] =	ssyncadd.s32 $0xFFFFFF80  }
0x36: {  	[tilespmem:s18], [sflag:$0x3] =	stream.linear.gather [hbm4b:s0+s4], $0x80, $0x38;
	[tilespmem:$0x1C200] =	vst v63  }
0x37: {  	_ =	swait.ge [sflag:s17], $0x80  }
0x38: {  	[sflag:s17] =	ssyncset.done $0x0  }
0x39: {  	[sflag:s17] =	ssyncadd.s32 $0xFFFFFF80  }
0x3a: {  	[tilespmem:s20], [sflag:$0x1] =	stream.indirect.gather [hbm4b:s5+s19], $0x80, s4, s19, $0xb8;
	[tilespmem:$0x1C200] =	vst v63  }
0x3b: {  	_ =	swait.ge [sflag:s23], $0x4000  }
0x3c: {  	s0 =	sand.u32 $0x7C00, s24;
	[sflag:s23] =	ssyncset.done $0x0  }
0x3d: {  	s26 =	sand.u32 $0x380, s24;
	s1 =	sadd.s32 s7, s0;
	[sflag:s23] =	ssyncadd.s32 $0xFFFFC000  }
0x3e: {  	[spmem:s3] =	stream.indirect.scatter.add.f32 [tilespmem:s21], [sflag:$0x3], $0x80, s24, s19, $0xb8;
	[tilespmem:$0x1C200] =	vst v63  }
0x3f: {  	s28 =	sor.u32 s26, s1;
	_ =	swait.ge [sflag:s17], $0x4000  }
0x40: {  	s28 =	sshrl.u32 s28, $0x3;
	[sflag:s17] =	ssyncset.done $0x0  }
0x41: {  	s0 =	sadd.s32 s9, s0;
	s28 =	sadd.s32 s2, s28;
	[sflag:s17] =	ssyncadd.s32 $0xFFFFC000  }
0x42: {  	[tilespmem:s19], [sflag:$0x3] =	stream.linear.gather [hbm4b:s28+s4], $0x80, $0x38;
	[tilespmem:$0x1C200] =	vst v63  }
0x43: {  	s0 =	sor.u32 s26, s0;
	_ =	swait.ge [sflag:s17], $0x80  }
0x44: {  	s0 =	sshrl.u32 s0, $0x3;
	[sflag:s17] =	ssyncset.done $0x0  }
0x45: {  	s0 =	sadd.s32 s2, s0;
	[sflag:s17] =	ssyncadd.s32 $0xFFFFFF80  }
0x46: {  	[tilespmem:s24], [sflag:$0x3] =	stream.linear.gather [hbm4b:s0+s4], $0x80, $0x38;
	[tilespmem:$0x1C200] =	vst v63  }
0x47: {  	_ =	swait.ge [sflag:s17], $0x80  }
0x48: {  	s31 =	simm.s32 $0x380;
	s0 =	simm.s32 $0x200;
	[sflag:s17] =	ssyncset.done $0x0  }
0x49: {  	s26 =	simm.s32 $0x280;
	s1 =	sand.u32 $0x7C00, s0;
	[sflag:s17] =	ssyncadd.s32 $0xFFFFFF80  }
0x4a: {  	[tilespmem:s21], [sflag:$0x2] =	stream.indirect.gather [hbm4b:s5+s19], $0x80, s19, s19, $0xb8;
	[tilespmem:$0x1C200] =	vst v63  }
0x4b: {  	s29 =	sand.u32 $0x300, s0;
	s30 =	sadd.s32 s7, s1;
	_ =	swait.ge [sflag:s22], $0x4000  }
0x4c: {  	s0 =	sor.u32 s29, s30;
	s30 =	sadd.s32 s9, s1;
	[sflag:s22] =	ssyncset.done $0x0  }
.LBB2_2:
0x4d: {  	s0 =	sshrl.u32 s0, $0x3  }
0x4e: {  	[sflag:s22] =	ssyncadd.s32 $0xFFFFC000;
	s1 =	smov.u32 s31;
	s28 =	sadd.s32 $0x100, s31  }
0x4f: {  	[spmem:s3] =	stream.indirect.scatter.add.f32 [tilespmem:s20], [sflag:$0x3], $0x80, s18, s19, $0xb8;
	[tilespmem:$0x1C200] =	vst v63  }
0x50: {  	p0 =	sne.s32 s31, $0x2780;
	_ =	swait.ge [sflag:s17], $0x4000  }
0x51: {  	[sflag:s17] =	ssyncset.done $0x0  }
0x52: {  	s0 =	sadd.s32 s2, s0;
	[sflag:s17] =	ssyncadd.s32 $0xFFFFC000  }
0x53: {  	[tilespmem:s4], [sflag:$0x3] =	stream.linear.gather [hbm4b:s0+s4], $0x80, $0x38;
	[tilespmem:$0x1C200] =	vst v63  }
0x54: {  	s0 =	sor.u32 s29, s30;
	_ =	swait.ge [sflag:s17], $0x80  }
0x55: {  	s0 =	sshrl.u32 s0, $0x3;
	[sflag:s17] =	ssyncset.done $0x0  }
0x56: {  	s0 =	sadd.s32 s2, s0;
	[sflag:s17] =	ssyncadd.s32 $0xFFFFFF80  }
0x57: {  	[tilespmem:s18], [sflag:$0x3] =	stream.linear.gather [hbm4b:s0+s4], $0x80, $0x38;
	[tilespmem:$0x1C200] =	vst v63  }
0x58: {  	_ =	swait.ge [sflag:s17], $0x80  }
0x59: {  	[sflag:s17] =	ssyncset.done $0x0  }
0x5a: {  	[sflag:s17] =	ssyncadd.s32 $0xFFFFFF80  }
0x5b: {  	[tilespmem:s20], [sflag:$0x1] =	stream.indirect.gather [hbm4b:s5+s19], $0x80, s4, s19, $0xb8;
	[tilespmem:$0x1C200] =	vst v63  }
0x5c: {  	_ =	swait.ge [sflag:s23], $0x4000  }
0x5d: {  	[sflag:s23] =	ssyncset.done $0x0  }
0x5e: {  	s0 =	sand.u32 $0x7C00, s26;
	s26 =	sand.u32 $0x380, s26;
	[sflag:s23] =	ssyncadd.s32 $0xFFFFC000  }
0x5f: {  	[spmem:s3] =	stream.indirect.scatter.add.f32 [tilespmem:s21], [sflag:$0x3], $0x80, s24, s19, $0xb8;
	[tilespmem:$0x1C200] =	vst v63  }
0x60: {  	s29 =	sadd.s32 s7, s0;
	s0 =	sadd.s32 s9, s0;
	_ =	swait.ge [sflag:s17], $0x4000  }
0x61: {  	s29 =	sor.u32 s26, s29;
	s0 =	sor.u32 s26, s0;
	[sflag:s17] =	ssyncset.done $0x0  }
0x62: {  	s26 =	sshrl.u32 s29, $0x3;
	s0 =	sshrl.u32 s0, $0x3;
	[sflag:s17] =	ssyncadd.s32 $0xFFFFC000  }
0x63: {  	s29 =	sadd.s32 s2, s26;
	s26 =	smov.u32 s1  }
0x64: {  	[tilespmem:s19], [sflag:$0x3] =	stream.linear.gather [hbm4b:s29+s4], $0x80, $0x38;
	[tilespmem:$0x1C200] =	vst v63  }
0x65: {  	_ =	swait.ge [sflag:s17], $0x80  }
0x66: {  	[sflag:s17] =	ssyncset.done $0x0  }
0x67: {  	s0 =	sadd.s32 s2, s0;
	[sflag:s17] =	ssyncadd.s32 $0xFFFFFF80  }
0x68: {  	[tilespmem:s24], [sflag:$0x3] =	stream.linear.gather [hbm4b:s0+s4], $0x80, $0x38;
	[tilespmem:$0x1C200] =	vst v63  }
0x69: {  	_ =	swait.ge [sflag:s17], $0x80  }
.Ltmp0:
0x6a: {  	s0 =	sadd.s32 $0xFFFFFF80, s26;
	[sflag:s17] =	ssyncset.done $0x0;
	(pc) =	sbr.rel @p0 .LBB2_2-.Ltmp0, $4  }
0x6b: {  	s31 =	smov.u32 s28;
	s1 =	sand.u32 $0x7C00, s0;
	[sflag:s17] =	ssyncadd.s32 $0xFFFFFF80  }
0x6c: {  	[tilespmem:s21], [sflag:$0x2] =	stream.indirect.gather [hbm4b:s5+s19], $0x80, s19, s19, $0xb8;
	[tilespmem:$0x1C200] =	vst v63  }
0x6d: {  	s29 =	sand.u32 $0x300, s0;
	s30 =	sadd.s32 s7, s1;
	_ =	swait.ge [sflag:s22], $0x4000  }
0x6e: {  	s0 =	sor.u32 s29, s30;
	s30 =	sadd.s32 s9, s1;
	[sflag:s22] =	ssyncset.done $0x0  }
0x6f: {  	[sflag:s22] =	ssyncadd.s32 $0xFFFFC000  }
0x70: {  	[spmem:s3] =	stream.indirect.scatter.add.f32 [tilespmem:s20], [sflag:$0x3], $0x80, s18, s19, $0xb8;
	[tilespmem:$0x1C200] =	vst v63  }
0x71: {  	_ =	swait.ge [sflag:s17], $0x4000  }
0x72: {  	s0 =	sshrl.u32 s0, $0x3;
	[sflag:s17] =	ssyncset.done $0x0  }
0x73: {  	s0 =	sadd.s32 s2, s0;
	[sflag:s17] =	ssyncadd.s32 $0xFFFFC000  }
0x74: {  	[tilespmem:s4], [sflag:$0x3] =	stream.linear.gather [hbm4b:s0+s4], $0x80, $0x38;
	[tilespmem:$0x1C200] =	vst v63  }
0x75: {  	s29 =	sor.u32 s29, s30;
	_ =	swait.ge [sflag:s17], $0x80  }
0x76: {  	s0 =	sshrl.u32 s29, $0x3;
	[sflag:s17] =	ssyncset.done $0x0  }
0x77: {  	s0 =	sadd.s32 s2, s0;
	[sflag:s17] =	ssyncadd.s32 $0xFFFFFF80  }
0x78: {  	[tilespmem:s18], [sflag:$0x3] =	stream.linear.gather [hbm4b:s0+s4], $0x80, $0x38;
	[tilespmem:$0x1C200] =	vst v63  }
0x79: {  	_ =	swait.ge [sflag:s17], $0x80  }
0x7a: {  	[sflag:s17] =	ssyncset.done $0x0  }
0x7b: {  	[sflag:s17] =	ssyncadd.s32 $0xFFFFFF80  }
0x7c: {  	[tilespmem:s20], [sflag:$0x1] =	stream.indirect.gather [hbm4b:s5+s19], $0x80, s4, s19, $0xb8;
	[tilespmem:$0x1C200] =	vst v63  }
0x7d: {  	_ =	swait.ge [sflag:s23], $0x4000  }
0x7e: {  	s30 =	sand.u32 $0x7C00, s26;
	[sflag:s23] =	ssyncset.done $0x0  }
0x7f: {  	s1 =	sand.u32 $0x380, s26;
	s31 =	sadd.s32 s7, s30;
	[sflag:s23] =	ssyncadd.s32 $0xFFFFC000  }
0x80: {  	[spmem:s3] =	stream.indirect.scatter.add.f32 [tilespmem:s21], [sflag:$0x3], $0x80, s24, s19, $0xb8;
	[tilespmem:$0x1C200] =	vst v63  }
0x81: {  	s26 =	sor.u32 s1, s31;
	_ =	swait.ge [sflag:s17], $0x4000  }
0x82: {  	s26 =	sshrl.u32 s26, $0x3;
	[sflag:s17] =	ssyncset.done $0x0  }
0x83: {  	s26 =	sadd.s32 s2, s26;
	s0 =	sadd.s32 s9, s30;
	[sflag:s17] =	ssyncadd.s32 $0xFFFFC000  }
0x84: {  	[tilespmem:s19], [sflag:$0x3] =	stream.linear.gather [hbm4b:s26+s4], $0x80, $0x38;
	[tilespmem:$0x1C200] =	vst v63  }
0x85: {  	s0 =	sor.u32 s1, s0;
	_ =	swait.ge [sflag:s17], $0x80  }
0x86: {  	s0 =	sshrl.u32 s0, $0x3;
	[sflag:s17] =	ssyncset.done $0x0  }
0x87: {  	s0 =	sadd.s32 s2, s0;
	[sflag:s17] =	ssyncadd.s32 $0xFFFFFF80  }
0x88: {  	[tilespmem:s24], [sflag:$0x3] =	stream.linear.gather [hbm4b:s0+s4], $0x80, $0x38;
	[tilespmem:$0x1C200] =	vst v63  }
0x89: {  	_ =	swait.ge [sflag:s17], $0x80  }
0x8a: {  	[sflag:s17] =	ssyncset.done $0x0  }
0x8b: {  	[sflag:s17] =	ssyncadd.s32 $0xFFFFFF80  }
0x8c: {  	[tilespmem:s21], [sflag:$0x2] =	stream.indirect.gather [hbm4b:s5+s19], $0x80, s19, s19, $0xb8;
	[tilespmem:$0x1C200] =	vst v63  }
0x8d: {  	_ =	swait.ge [sflag:s22], $0x4000  }
0x8e: {  	[sflag:s22] =	ssyncset.done $0x0  }
0x8f: {  	[sflag:s22] =	ssyncadd.s32 $0xFFFFC000  }
0x90: {  	[spmem:s3] =	stream.indirect.scatter.add.f32 [tilespmem:s20], [sflag:$0x3], $0x80, s18, s19, $0xb8;
	[tilespmem:$0x1C200] =	vst v63  }
0x91: {  	_ =	swait.ge [sflag:s17], $0x4000  }
0x92: {  	[sflag:s17] =	ssyncset.done $0x0  }
0x93: {  	[sflag:s17] =	ssyncadd.s32 $0xFFFFC000  }
0x94: {  	_ =	swait.ge [sflag:s23], $0x4000  }
0x95: {  	[sflag:s23] =	ssyncset.done $0x0  }
0x96: {  	[sflag:s23] =	ssyncadd.s32 $0xFFFFC000  }
0x97: {  	[spmem:s3] =	stream.indirect.scatter.add.f32 [tilespmem:s21], [sflag:$0x3], $0x80, s24, s19, $0xb8;
	[tilespmem:$0x1C200] =	vst v63  }
0x98: {  	_ =	swait.ge [sflag:s17], $0x4000  }
0x99: {  	s25 =	sadd.s32 $0x1, s25;
	[sflag:s17] =	ssyncset.done $0x0  }
0x9a: {  	p0 =	sne.s32 s25, s15;
	[sflag:s17] =	ssyncadd.s32 $0xFFFFC000  }
.Ltmp1:
0x9b: {  	[bflag:$0x0] =	sbarrier.arrive $0xFFFF;
	(pc) =	sbr.rel @p0 .LBB2_1-.Ltmp1, $4  }
0x9c: {  	[hbm:s14], [sflag:s8] =	dma.local [spmem:s16], $0x2800  }
0x9d: {  	_ =	swait.ge [sflag:s17], $0x2800  }
0x9e: {  	[sflag:s17] =	ssyncset.done $0x0  }
0x9f: {  	[sflag:s17] =	ssyncadd.s32 $0xFFFFD800  }
0xa0: {  	_ =	sfence.sel $0x180000  }
0xa1: {  	[bflag:$0x0] =	sbarrier.arrive $0xFFFF  }
0xa2: {  	_ =	strace $0x9000004A  }
0xa3: {  	s0 =	stileid.u32;
	[bflag:$0x2] =	sbarrier.arrive $0xFFFF  }
0xa4: {  	p0 =	sne.s32 s0, $0x0;
	s0 =	rddreg [dreg:$0x3]  }
0xa5: {  	s0 =	sadd.s32 @!p0 $0x100000, s0  }
0xa6: {  	[sflag:s0] =	ssyncadd.tile.s32 @!p0 $0x1;
	_ =	shalt  }
.Lfunc_end2:
_tile_overlayer_lowered:
.L_overlay_start_2:
0xa7: {  	(tag) =	ssettag $0x2  }
0xa8: {  	s0 =	rddreg [dreg:$0x0];
	s2 =	stileid.u32  }
0xa9: {  	s1 =	rddreg [dreg:$0x1];
	p0 =	sne.s32 s2, $0x0  }
0xaa: {  	s3 =	rddreg [dreg:$0x2];
	[bflag:$0x3] =	sbarrier.arrive $0xFFFF;
	s2 =	simm.s32 @!p0 $0x1C03  }
0xab: {  	[timem:s3], [sflag:s2] =	dma.local @!p0 [hbm:s0], s1  }
0xac: {  	s0 =	simm.s32 @!p0 $0x3  }
0xad: {  	_ =	swait.ge @!p0 [sflag:s0], s1  }
0xae: {  	s1 =	ssub.s32 @!p0 $0x0, s1;
	[sflag:s0] =	ssyncset.done @!p0 $0x0  }
0xaf: {  	[sflag:s0] =	ssyncadd.s32 @!p0 s1  }
0xb0: {  	[bflag:$0x3] =	sbarrier.arrive $0xFFFF  }
0xb1: {  	_ =	shalt  }

// kernel: kernel.14.cloned.1.call-start
scs
__scs_entry_jumppad:
0x0: {  	(pc) =	sbr.rel $0x88, $3  }
0x1: {  	(tag) =	ssettag $0x0;
	lr =	simm.s32 $0x1  }
0x2: {  	[smem:$0x3F97] =	sst lr;
	_ =	strace $0xD0000000  }
0x3: {  	_ = 	snop  }
0x4: {  	_ = 	snop  }
0x5: {  	_ = 	snop  }
0x6: {  	_ = 	snop  }
0x7: {  	_ = 	snop  }
__scs_overlays_trampoline_lowered:
0x8: {  	[smem:$0x3FA6] =	sst s0  }
0x9: {  	[smem:$0x3FA7] =	sst s1  }
0xa: {  	[smem:$0x3FA8] =	sst s2  }
0xb: {  	[smem:$0x3FA9] =	sst s3  }
0xc: {  	[smem:$0x3FAA] =	sst s4  }
0xd: {  	[smem:$0x3FAB] =	sst s5  }
0xe: {  	[smem:$0x3FAC] =	sst s6  }
0xf: {  	[smem:$0x3FAD] =	sst s7  }
0x10: {  	[smem:$0x3FAE] =	sst s8  }
0x11: {  	[smem:$0x3FAF] =	sst s9;
	s0 =	simm.s32 @!p0 $0x0  }
0x12: {  	s1 =	sld [smem:$0x3F95];
	s0 =	simm.s32 @p0 $0x1  }
0x13: {  	[smem:$0x3FB0] =	sst s0;
	s0 =	simm.s32 @!p1 $0x0  }
0x14: {  	s2 =	sld [smem:$0x3F94];
	s0 =	simm.s32 @p1 $0x1  }
0x15: {  	[smem:$0x3FB1] =	sst s0;
	s0 =	simm.s32 @!p2 $0x0  }
0x16: {  	s3 =	sld [smem:$0x3FDB];
	s0 =	simm.s32 @p2 $0x1  }
0x17: {  	s4 =	simm.s32 $0x1BF5;
	[smem:$0x3FB3] =	sst s0  }
0x18: {  	s0 =	sld [smem:$0x3F96];
	_ =	swait.ge [sflag:s4], $0x0  }
0x19: {  	s7 =	sld [smem:$0x3F97]  }
0x1a: {  	s8 =	sadd.s32 $0xFFFFE003, lr  }
0x1b: {  	s9 =	sadd.s32 $0xFFFFFEF7, lr;
	s5 =	simm.s32 $0xFFFFFFFF;
	p2 =	slt.u32 s8, $0xFFFFF086  }
0x1c: {  	p1 =	slt.u32 s9, $0xF7A;
	s5 =	simm.s32 @!p2 $0x0  }
0x1d: {  	s5 =	simm.s32 @p1 $0x1;
	p0 =	seq.s32 s7, s2  }
0x1e: {  	s7 =	smul.u32 @!p0 $0xF7A, s2;
	p2 =	seq.s32 @!p0 s5, $0x0  }
0x1f: {  	s9 =	smul.u32 $0xF7A, s1;
	s8 =	simm.s32 @!p0 $0x1BF5;
	p2 =	por !p2, p0  }
0x20: {  	[sflag:s8] =	ssyncset.s32 @!p0 $0xFFFFF086;
	s6 =	sadd.s32 @!p0 s3, s7;
	s7 =	simm.s32 @!p0 $0x108  }
0x21: {  	s3 =	sadd.s32 s3, s9;
	s6 =	sadd.s32 @!p0 $0x88, s6;
	s7 =	simm.s32 @p2 $0x1082  }
0x22: {  	[simem:s7], [sflag:s8] =	dma.local @!p0 [hbm:s6], $0xF7A  }
0x23: {  	s9 =	sor.u32 $0xD0000000, s2;
	s6 =	simm.s32 $0x108;
	_ =	swait.ge @!p0 [sflag:s8], $0x0  }
0x24: {  	s3 =	sadd.s32 $0x88, s3;
	s6 =	simm.s32 @!p1 $0x1082;
	[sflag:s4] =	ssyncset.s32 $0xFFFFF086  }
0x25: {  	[simem:s6], [sflag:s4] =	dma.local [hbm:s3], $0xF7A  }
0x26: {  	[smem:$0x3F97] =	sst s1;
	(tag) =	ssettag s2;
	_ =	strace s9  }
0x27: {  	s1 =	sld [smem:$0x3FA7]  }
0x28: {  	s2 =	sld [smem:$0x3FA8]  }
0x29: {  	s4 =	sld [smem:$0x3FAA]  }
0x2a: {  	p0 =	seq.s32 s5, $0x0;
	s5 =	sld [smem:$0x3FAB]  }
0x2b: {  	s6 =	sld [smem:$0x3FAC]  }
0x2c: {  	s7 =	sld [smem:$0x3FAD]  }
0x2d: {  	s3 =	simm.s32 $0x108;
	s8 =	sld [smem:$0x3FAE]  }
0x2e: {  	s3 =	simm.s32 @!p0 $0x1082;
	s9 =	sld [smem:$0x3FAF]  }
0x2f: {  	lr =	sadd.s32 s0, s3;
	s0 =	sld [smem:$0x3FA6]  }
0x30: {  	s3 =	sld [smem:$0x3FA9]  }
0x31: {  	[smem:$0x3FB2] =	sst s10  }
0x32: {  	s10 =	sld [smem:$0x3FB0];
	_ =	sdelay $0x3  }
0x33: {  	p0 =	seq.s32 s10, $0x1;
	s10 =	sld [smem:$0x3FB2];
	_ =	sdelay $0x3  }
0x34: {  	[smem:$0x3FB2] =	sst s10  }
0x35: {  	s10 =	sld [smem:$0x3FB1];
	_ =	sdelay $0x3  }
0x36: {  	p1 =	seq.s32 s10, $0x1;
	s10 =	sld [smem:$0x3FB2];
	_ =	sdelay $0x3  }
0x37: {  	[smem:$0x3FB2] =	sst s10  }
0x38: {  	s10 =	sld [smem:$0x3FB3]  }
0x39: {  	_ = 	snop;
	(pc) =	sbr.ind lr, $3  }
0x3a: {  	_ = 	snop  }
0x3b: {  	_ = 	snop  }
0x3c: {  	p2 =	seq.s32 s10, $0x1;
	s10 =	sld [smem:$0x3FB2]  }
0x3d: {  	_ =	shalt  }
0x3e: {  	_ =	shalt  }
0x3f: {  	_ =	shalt  }
0x40: {  	_ =	shalt  }
0x41: {  	_ =	shalt  }
0x42: {  	_ =	shalt  }
0x43: {  	_ =	shalt  }
0x44: {  	_ =	shalt  }
0x45: {  	_ =	shalt  }
0x46: {  	_ =	shalt  }
0x47: {  	_ =	shalt  }
0x48: {  	_ =	shalt  }
0x49: {  	_ =	shalt  }
0x4a: {  	_ =	shalt  }
0x4b: {  	_ =	shalt  }
0x4c: {  	_ =	shalt  }
0x4d: {  	_ =	shalt  }
0x4e: {  	_ =	shalt  }
0x4f: {  	_ =	shalt  }
0x50: {  	_ =	shalt  }
0x51: {  	_ =	shalt  }
0x52: {  	_ =	shalt  }
0x53: {  	_ =	shalt  }
0x54: {  	_ =	shalt  }
0x55: {  	_ =	shalt  }
0x56: {  	_ =	shalt  }
0x57: {  	_ =	shalt  }
0x58: {  	_ =	shalt  }
0x59: {  	_ =	shalt  }
0x5a: {  	_ =	shalt  }
0x5b: {  	_ =	shalt  }
0x5c: {  	_ =	shalt  }
0x5d: {  	_ =	shalt  }
0x5e: {  	_ =	shalt  }
0x5f: {  	_ =	shalt  }
0x60: {  	_ =	shalt  }
0x61: {  	_ =	shalt  }
0x62: {  	_ =	shalt  }
0x63: {  	_ =	shalt  }
0x64: {  	_ =	shalt  }
0x65: {  	_ =	shalt  }
0x66: {  	_ =	shalt  }
0x67: {  	_ =	shalt  }
0x68: {  	_ =	shalt  }
0x69: {  	_ =	shalt  }
0x6a: {  	_ =	shalt  }
0x6b: {  	_ =	shalt  }
0x6c: {  	_ =	shalt  }
0x6d: {  	_ =	shalt  }
0x6e: {  	_ =	shalt  }
0x6f: {  	_ =	shalt  }
0x70: {  	_ =	shalt  }
0x71: {  	_ =	shalt  }
0x72: {  	_ =	shalt  }
0x73: {  	_ =	shalt  }
0x74: {  	_ =	shalt  }
0x75: {  	_ =	shalt  }
0x76: {  	_ =	shalt  }
0x77: {  	_ =	shalt  }
0x78: {  	_ =	shalt  }
0x79: {  	_ =	shalt  }
0x7a: {  	_ =	shalt  }
0x7b: {  	_ =	shalt  }
0x7c: {  	_ =	shalt  }
0x7d: {  	_ =	shalt  }
0x7e: {  	_ =	shalt  }
0x7f: {  	_ =	shalt  }
0x80: {  	_ =	shalt  }
0x81: {  	_ =	shalt  }
0x82: {  	_ =	shalt  }
0x83: {  	_ =	shalt  }
0x84: {  	_ =	shalt  }
0x85: {  	_ =	shalt  }
0x86: {  	_ =	shalt  }
0x87: {  	_ =	shalt  }
.Lfunc_end0:
.L_simem_size_0:
called_computation.2_lowered:
.L_overlay_start_0:
0x88: {  	s2 =	sld [smem:$0x3FD9]  }
0x89: {  	s3 =	sld [smem:$0x3FFE];
	_ =	sdelay $0x1  }
0x8a: {  	s1 =	srdreg.scid  }
0x8b: {  	s0 =	sand.u32 $0x1, s1  }
0x8c: {  	s17 =	sshll.u32 s0, $0xA;
	s2 =	sadd.s32 s3, s2  }
0x8d: {  	s2 =	sadd.s32 s2, s17  }
0x8e: {  	[smem:$0x3FBE] =	sst s2  }
0x8f: {  	_ = 	snop  }
0x90: {  	s2 =	sld [smem:$0x3FD0];
	(tm) =	ssettm $0x1  }
0x91: {  	s18 =	sld [smem:$0x3FFB];
	_ =	sdelay $0x3  }
0x92: {  	_ =	strace s18  }
0x93: {  	s3 =	sld [smem:$0x3FFC];
	_ =	sdelay $0x3  }
0x94: {  	_ =	strace s3  }
0x95: {  	s3 =	sld [smem:$0x3FFD];
	_ =	sdelay $0x3  }
0x96: {  	_ =	strace s3  }
0x97: {  	_ =	strace $0x8FFFFFFF  }
0x98: {  	s19 =	sld [smem:$0x3FDB];
	_ =	sdelay $0x1  }
0x99: {  	s4 =	simm.s32 $_scs_section_size  }
0x9a: {  	s5 =	simm.s32 $_size__tile_overlayer_lowered;
	s6 =	simm.s32 $_tile_overlayer_lowered  }
0x9b: {  	s22 =	simm.s32 $0x1BFF;
	s21 =	sshll.u32 s6, $0x1;
	s3 =	sadd.s32 s4, s19  }
0x9c: {  	s7 =	simm.s32 $0x0;
	s20 =	sshll.u32 s5, $0x1;
	s5 =	sadd.s32 s21, s3  }
0x9d: {  	[timem:s7], [sflag:s22] =	dma.local [hbm:s5], s20  }
0x9e: {  	_ =	swait.ge [sflag:s22], s20  }
0x9f: {  	s4 =	ssub.s32 $0x0, s20;
	[sflag:s22] =	ssyncset.done $0x0  }
0xa0: {  	[sflag:s22] =	ssyncadd.s32 s4;
	_ =	sdelay $0x1  }
0xa1: {  	s23 =	simm.s32 $0x1B8B  }
0xa2: {  	_ =	swait.ge [sflag:s23], $0x1  }
0xa3: {  	[sflag:s23] =	ssyncset.done $0x0  }
0xa4: {  	s25 =	simm.s32 $0x1B8E;
	s24 =	sld [smem:$0x3FFE];
	[sflag:s23] =	ssyncadd.s32 $0xFFFFFFFF  }
0xa5: {  	s26 =	simm.s32 $execute0_lowered;
	[smem:$0x3FD2] =	sst s25  }
0xa6: {  	s5 =	sshll.u32 s26, $0x1;
	_ =	strace $0x8000004C;
	[dreg:$0x1] =	wrdreg $0xFFFFFFFF  }
0xa7: {  	s28 =	simm.s32 $_size_execute0_lowered;
	s3 =	sadd.s32 s3, s5;
	[dreg:$0x0] =	wrdreg $0x0  }
0xa8: {  	s5 =	sshll.u32 s28, $0x1;
	[dreg:$0x2] =	wrdreg s3  }
0xa9: {  	[dreg:$0x3] =	wrdreg s5  }
0xaa: {  	[dreg:$0x4] =	wrdreg $0xC0  }
0xab: {  	_ =	task [dreg:s7], $0x5FFFF  }
0xac: {  	[dreg:$0x1] =	wrdreg $0xFFFFFFFF  }
0xad: {  	[dreg:$0x0] =	wrdreg $0x60  }
0xae: {  	[dreg:$0x2] =	wrdreg s24  }
0xaf: {  	[dreg:$0x3] =	wrdreg s2  }
0xb0: {  	[dreg:$0x4] =	wrdreg $0x82000  }
0xb1: {  	[dreg:$0x5] =	wrdreg $0x9  }
0xb2: {  	_ =	task.clear_ibuf [dreg:s7], $0x6FFFF;
	_ =	strace $0x9000004C  }
0xb3: {  	s29 =	simm.s32 $0x9;
	_ =	strace $0x8000004E  }
0xb4: {  	_ =	swait.ge [sflag:s29], $0x1  }
0xb5: {  	[sflag:s29] =	ssyncadd.s32 $0xFFFFFFFF  }
0xb6: {  	_ =	strace $0x9000004E  }
0xb7: {  	_ =	sfence  }
0xb8: {  	s30 =	sld [smem:$0x0];
	_ =	sdelay $0x2  }
0xb9: {  	s31 =	sshll.u32 s1, $0xD;
	s1 =	sshrl.u32 s1, $0x2  }
0xba: {  	s3 =	sand.u32 $0x4000, s31;
	s1 =	sadd.s32 s1, s30  }
0xbb: {  	s0 =	sor.u32 s3, s0;
	s1 =	sshll.u32 s1, $0x11  }
0xbc: {  	s0 =	sor.u32 s1, s0  }
0xbd: {  	s0 =	sadd.s32 $0x8F2B, s0  }
0xbe: {  	[sflag:s0] =	ssyncadd.remote.s32 $0x1  }
0xbf: {  	_ =	sfence.sel $0xFFFF  }
0xc0: {  	[dreg:$0x0] =	wrdreg $0xFFFFFFFF;
	(pc) =	sbr.abs _section_cstart, $3  }
0xc1: {  	[dreg:$0x1] =	wrdreg $0xFFFFFFFF  }
0xc2: {  	_ =	task.clear_ibuf [dreg:s7], $0x2FFFF;
	_ =	strace $0x9FFFFFFF  }
0xc3: {  	(tm) =	ssettm $0x7FFFFFFF  }
tec
execute0_lowered:
.L_overlay_start_1:
0x0: {  	(tag) =	ssettag $0x1  }
0x1: {  	s0 =	rddreg [dreg:$0x0]  }
0x2: {  	s2 =	rddreg [dreg:$0x1]  }
0x3: {  	s3 =	rddreg [dreg:$0x2];
	s1 =	stileid.u32  }
0x4: {  	s5 =	srdreg.scid;
	s4 =	simm.s32 $0x0;
	s17 =	simm.s32 $0x3  }
0x5: {  	s18 =	simm.s32 $0x100;
	s19 =	simm.s32 $0x80;
	s20 =	simm.s32 $0x200  }
0x6: {  	s21 =	simm.s32 $0x4200;
	s22 =	simm.s32 $0x1;
	s23 =	simm.s32 $0x2  }
0x7: {  	s24 =	simm.s32 $0x180;
	s25 =	simm.s32 $0x0;
	s6 =	smul.u32 $0x14000, s1  }
0x8: {  	s7 =	sand.u32 $0x1, s5;
	[smem:$0x7FF] =	sst s4;
	s30 =	smul.u32 $0x50000, s1  }
0x9: {  	s5 =	sadd.s32 $0x85C00, s0;
	s12 =	smul.u32 $0x2800, s1;
	s31 =	sshll.u32 s1, $0x6  }
0xa: {  	s14 =	sadd.s32 $0x10, s2;
	s8 =	smul.u32 $0x140000, s7;
	_ =	strace $0x8000004D  }
0xb: {  	s10 =	ssub.s32 $0x2, s7;
	s7 =	smul.u32 $0x28000, s7;
	s9 =	sshrl.u32 s6, $0x3  }
0xc: {  	s11 =	sshrl.u32 s10, $0x1;
	s9 =	sadd.s32 s9, s0;
	s6 =	sadd.s32 s6, s8  }
0xd: {  	s8 =	sshrl.u32 s30, $0x2;
	s15 =	ssub.s32 s10, s11;
	s7 =	sadd.s32 s12, s7  }
0xe: {  	s6 =	sshrl.u32 s6, $0x3;
	s16 =	sadd.s32 s8, s3;
	s8 =	sor.u32 $0x1C03, s31  }
0xf: {  	s12 =	sshrl.u32 s7, $0x3;
	s15 =	smax.u32 s15, $0x1;
	s0 =	sadd.s32 s6, s0  }
0x10: {  	s6 =	sadd.s32 $0xDC00, s9;
	s9 =	sadd.s32 $0x50000, s7;
	s10 =	sadd.s32 s2, s12  }
0x11: {  	s12 =	sadd.s32 s12, s14;
	s16 =	sshrl.u32 s16, $0x3;
	s13 =	sshrl.u32 s9, $0x3  }
0x12: {  	s11 =	sadd.s32 s2, s13;
	s13 =	sadd.s32 s13, s14;
	s14 =	sadd.s32 $0xADC00, s0  }
.LBB2_1:
0x13: {  	[spmem:s16], [sflag:s8] =	dma.local [hbm:s6], $0x2800  }
0x14: {  	_ =	swait.ge [sflag:s17], $0x2800  }
0x15: {  	[sflag:s17] =	ssyncset.done $0x0  }
0x16: {  	[sflag:s17] =	ssyncadd.s32 $0xFFFFD800  }
0x17: {  	[bflag:$0x0] =	sbarrier.arrive $0xFFFF  }
0x18: {  	[tilespmem:s4], [sflag:$0x3] =	stream.linear.gather [hbm4b:s10+s4], $0x80, $0x38;
	[tilespmem:$0x1C200] =	vst v63  }
0x19: {  	_ =	swait.ge [sflag:s17], $0x80  }
0x1a: {  	[sflag:s17] =	ssyncset.done $0x0  }
0x1b: {  	[sflag:s17] =	ssyncadd.s32 $0xFFFFFF80  }
0x1c: {  	[tilespmem:s18], [sflag:$0x3] =	stream.linear.gather [hbm4b:s11+s4], $0x80, $0x38;
	[tilespmem:$0x1C200] =	vst v63  }
0x1d: {  	_ =	swait.ge [sflag:s17], $0x80  }
0x1e: {  	[sflag:s17] =	ssyncset.done $0x0  }
0x1f: {  	[sflag:s17] =	ssyncadd.s32 $0xFFFFFF80  }
0x20: {  	[tilespmem:s20], [sflag:$0x1] =	stream.indirect.gather [hbm4b:s5+s19], $0x80, s4, s19, $0xb8;
	[tilespmem:$0x1C200] =	vst v63  }
0x21: {  	_ = 	snop  }
0x22: {  	[tilespmem:s19], [sflag:$0x3] =	stream.linear.gather [hbm4b:s12+s4], $0x80, $0x38;
	[tilespmem:$0x1C200] =	vst v63  }
0x23: {  	_ =	swait.ge [sflag:s17], $0x80  }
0x24: {  	[sflag:s17] =	ssyncset.done $0x0  }
0x25: {  	[sflag:s17] =	ssyncadd.s32 $0xFFFFFF80  }
0x26: {  	[tilespmem:s24], [sflag:$0x3] =	stream.linear.gather [hbm4b:s13+s4], $0x80, $0x38;
	[tilespmem:$0x1C200] =	vst v63  }
0x27: {  	_ =	swait.ge [sflag:s17], $0x80  }
0x28: {  	[sflag:s17] =	ssyncset.done $0x0  }
0x29: {  	[sflag:s17] =	ssyncadd.s32 $0xFFFFFF80  }
0x2a: {  	[tilespmem:s21], [sflag:$0x2] =	stream.indirect.gather [hbm4b:s5+s19], $0x80, s19, s19, $0xb8;
	[tilespmem:$0x1C200] =	vst v63  }
0x2b: {  	s0 =	simm.s32 $0x100;
	_ =	swait.ge [sflag:s22], $0x4000  }
0x2c: {  	s26 =	sand.u32 $0x7C00, s0;
	[sflag:s22] =	ssyncset.done $0x0  }
0x2d: {  	s0 =	sand.u32 $0x300, s0;
	s28 =	sadd.s32 s7, s26;
	[sflag:s22] =	ssyncadd.s32 $0xFFFFC000  }
0x2e: {  	[spmem:s3] =	stream.indirect.scatter.add.f32 [tilespmem:s20], [sflag:$0x3], $0x80, s18, s19, $0xb8;
	[tilespmem:$0x1C200] =	vst v63  }
0x2f: {  	s28 =	sor.u32 s0, s28;
	_ =	swait.ge [sflag:s17], $0x4000  }
0x30: {  	s28 =	sshrl.u32 s28, $0x3;
	[sflag:s17] =	ssyncset.done $0x0  }
0x31: {  	s26 =	sadd.s32 s9, s26;
	s28 =	sadd.s32 s2, s28;
	[sflag:s17] =	ssyncadd.s32 $0xFFFFC000  }
0x32: {  	[tilespmem:s4], [sflag:$0x3] =	stream.linear.gather [hbm4b:s28+s4], $0x80, $0x38;
	[tilespmem:$0x1C200] =	vst v63  }
0x33: {  	s0 =	sor.u32 s0, s26;
	_ =	swait.ge [sflag:s17], $0x80  }
0x34: {  	s0 =	sshrl.u32 s0, $0x3;
	[sflag:s17] =	ssyncset.done $0x0  }
0x35: {  	s0 =	sadd.s32 s2, s0;
	[sflag:s17] =	ssyncadd.s32 $0xFFFFFF80  }
0x36: {  	[tilespmem:s18], [sflag:$0x3] =	stream.linear.gather [hbm4b:s0+s4], $0x80, $0x38;
	[tilespmem:$0x1C200] =	vst v63  }
0x37: {  	_ =	swait.ge [sflag:s17], $0x80  }
0x38: {  	[sflag:s17] =	ssyncset.done $0x0  }
0x39: {  	[sflag:s17] =	ssyncadd.s32 $0xFFFFFF80  }
0x3a: {  	[tilespmem:s20], [sflag:$0x1] =	stream.indirect.gather [hbm4b:s5+s19], $0x80, s4, s19, $0xb8;
	[tilespmem:$0x1C200] =	vst v63  }
0x3b: {  	_ =	swait.ge [sflag:s23], $0x4000  }
0x3c: {  	s0 =	sand.u32 $0x7C00, s24;
	[sflag:s23] =	ssyncset.done $0x0  }
0x3d: {  	s26 =	sand.u32 $0x380, s24;
	s1 =	sadd.s32 s7, s0;
	[sflag:s23] =	ssyncadd.s32 $0xFFFFC000  }
0x3e: {  	[spmem:s3] =	stream.indirect.scatter.add.f32 [tilespmem:s21], [sflag:$0x3], $0x80, s24, s19, $0xb8;
	[tilespmem:$0x1C200] =	vst v63  }
0x3f: {  	s28 =	sor.u32 s26, s1;
	_ =	swait.ge [sflag:s17], $0x4000  }
0x40: {  	s28 =	sshrl.u32 s28, $0x3;
	[sflag:s17] =	ssyncset.done $0x0  }
0x41: {  	s0 =	sadd.s32 s9, s0;
	s28 =	sadd.s32 s2, s28;
	[sflag:s17] =	ssyncadd.s32 $0xFFFFC000  }
0x42: {  	[tilespmem:s19], [sflag:$0x3] =	stream.linear.gather [hbm4b:s28+s4], $0x80, $0x38;
	[tilespmem:$0x1C200] =	vst v63  }
0x43: {  	s0 =	sor.u32 s26, s0;
	_ =	swait.ge [sflag:s17], $0x80  }
0x44: {  	s0 =	sshrl.u32 s0, $0x3;
	[sflag:s17] =	ssyncset.done $0x0  }
0x45: {  	s0 =	sadd.s32 s2, s0;
	[sflag:s17] =	ssyncadd.s32 $0xFFFFFF80  }
0x46: {  	[tilespmem:s24], [sflag:$0x3] =	stream.linear.gather [hbm4b:s0+s4], $0x80, $0x38;
	[tilespmem:$0x1C200] =	vst v63  }
0x47: {  	_ =	swait.ge [sflag:s17], $0x80  }
0x48: {  	s31 =	simm.s32 $0x380;
	s0 =	simm.s32 $0x200;
	[sflag:s17] =	ssyncset.done $0x0  }
0x49: {  	s26 =	simm.s32 $0x280;
	s1 =	sand.u32 $0x7C00, s0;
	[sflag:s17] =	ssyncadd.s32 $0xFFFFFF80  }
0x4a: {  	[tilespmem:s21], [sflag:$0x2] =	stream.indirect.gather [hbm4b:s5+s19], $0x80, s19, s19, $0xb8;
	[tilespmem:$0x1C200] =	vst v63  }
0x4b: {  	s29 =	sand.u32 $0x300, s0;
	s30 =	sadd.s32 s7, s1;
	_ =	swait.ge [sflag:s22], $0x4000  }
0x4c: {  	s0 =	sor.u32 s29, s30;
	s30 =	sadd.s32 s9, s1;
	[sflag:s22] =	ssyncset.done $0x0  }
.LBB2_2:
0x4d: {  	s0 =	sshrl.u32 s0, $0x3  }
0x4e: {  	[sflag:s22] =	ssyncadd.s32 $0xFFFFC000;
	s1 =	smov.u32 s31;
	s28 =	sadd.s32 $0x100, s31  }
0x4f: {  	[spmem:s3] =	stream.indirect.scatter.add.f32 [tilespmem:s20], [sflag:$0x3], $0x80, s18, s19, $0xb8;
	[tilespmem:$0x1C200] =	vst v63  }
0x50: {  	p0 =	sne.s32 s31, $0x2780;
	_ =	swait.ge [sflag:s17], $0x4000  }
0x51: {  	[sflag:s17] =	ssyncset.done $0x0  }
0x52: {  	s0 =	sadd.s32 s2, s0;
	[sflag:s17] =	ssyncadd.s32 $0xFFFFC000  }
0x53: {  	[tilespmem:s4], [sflag:$0x3] =	stream.linear.gather [hbm4b:s0+s4], $0x80, $0x38;
	[tilespmem:$0x1C200] =	vst v63  }
0x54: {  	s0 =	sor.u32 s29, s30;
	_ =	swait.ge [sflag:s17], $0x80  }
0x55: {  	s0 =	sshrl.u32 s0, $0x3;
	[sflag:s17] =	ssyncset.done $0x0  }
0x56: {  	s0 =	sadd.s32 s2, s0;
	[sflag:s17] =	ssyncadd.s32 $0xFFFFFF80  }
0x57: {  	[tilespmem:s18], [sflag:$0x3] =	stream.linear.gather [hbm4b:s0+s4], $0x80, $0x38;
	[tilespmem:$0x1C200] =	vst v63  }
0x58: {  	_ =	swait.ge [sflag:s17], $0x80  }
0x59: {  	[sflag:s17] =	ssyncset.done $0x0  }
0x5a: {  	[sflag:s17] =	ssyncadd.s32 $0xFFFFFF80  }
0x5b: {  	[tilespmem:s20], [sflag:$0x1] =	stream.indirect.gather [hbm4b:s5+s19], $0x80, s4, s19, $0xb8;
	[tilespmem:$0x1C200] =	vst v63  }
0x5c: {  	_ =	swait.ge [sflag:s23], $0x4000  }
0x5d: {  	[sflag:s23] =	ssyncset.done $0x0  }
0x5e: {  	s0 =	sand.u32 $0x7C00, s26;
	s26 =	sand.u32 $0x380, s26;
	[sflag:s23] =	ssyncadd.s32 $0xFFFFC000  }
0x5f: {  	[spmem:s3] =	stream.indirect.scatter.add.f32 [tilespmem:s21], [sflag:$0x3], $0x80, s24, s19, $0xb8;
	[tilespmem:$0x1C200] =	vst v63  }
0x60: {  	s29 =	sadd.s32 s7, s0;
	s0 =	sadd.s32 s9, s0;
	_ =	swait.ge [sflag:s17], $0x4000  }
0x61: {  	s29 =	sor.u32 s26, s29;
	s0 =	sor.u32 s26, s0;
	[sflag:s17] =	ssyncset.done $0x0  }
0x62: {  	s26 =	sshrl.u32 s29, $0x3;
	s0 =	sshrl.u32 s0, $0x3;
	[sflag:s17] =	ssyncadd.s32 $0xFFFFC000  }
0x63: {  	s29 =	sadd.s32 s2, s26;
	s26 =	smov.u32 s1  }
0x64: {  	[tilespmem:s19], [sflag:$0x3] =	stream.linear.gather [hbm4b:s29+s4], $0x80, $0x38;
	[tilespmem:$0x1C200] =	vst v63  }
0x65: {  	_ =	swait.ge [sflag:s17], $0x80  }
0x66: {  	[sflag:s17] =	ssyncset.done $0x0  }
0x67: {  	s0 =	sadd.s32 s2, s0;
	[sflag:s17] =	ssyncadd.s32 $0xFFFFFF80  }
0x68: {  	[tilespmem:s24], [sflag:$0x3] =	stream.linear.gather [hbm4b:s0+s4], $0x80, $0x38;
	[tilespmem:$0x1C200] =	vst v63  }
0x69: {  	_ =	swait.ge [sflag:s17], $0x80  }
.Ltmp0:
0x6a: {  	s0 =	sadd.s32 $0xFFFFFF80, s26;
	[sflag:s17] =	ssyncset.done $0x0;
	(pc) =	sbr.rel @p0 .LBB2_2-.Ltmp0, $4  }
0x6b: {  	s31 =	smov.u32 s28;
	s1 =	sand.u32 $0x7C00, s0;
	[sflag:s17] =	ssyncadd.s32 $0xFFFFFF80  }
0x6c: {  	[tilespmem:s21], [sflag:$0x2] =	stream.indirect.gather [hbm4b:s5+s19], $0x80, s19, s19, $0xb8;
	[tilespmem:$0x1C200] =	vst v63  }
0x6d: {  	s29 =	sand.u32 $0x300, s0;
	s30 =	sadd.s32 s7, s1;
	_ =	swait.ge [sflag:s22], $0x4000  }
0x6e: {  	s0 =	sor.u32 s29, s30;
	s30 =	sadd.s32 s9, s1;
	[sflag:s22] =	ssyncset.done $0x0  }
0x6f: {  	[sflag:s22] =	ssyncadd.s32 $0xFFFFC000  }
0x70: {  	[spmem:s3] =	stream.indirect.scatter.add.f32 [tilespmem:s20], [sflag:$0x3], $0x80, s18, s19, $0xb8;
	[tilespmem:$0x1C200] =	vst v63  }
0x71: {  	_ =	swait.ge [sflag:s17], $0x4000  }
0x72: {  	s0 =	sshrl.u32 s0, $0x3;
	[sflag:s17] =	ssyncset.done $0x0  }
0x73: {  	s0 =	sadd.s32 s2, s0;
	[sflag:s17] =	ssyncadd.s32 $0xFFFFC000  }
0x74: {  	[tilespmem:s4], [sflag:$0x3] =	stream.linear.gather [hbm4b:s0+s4], $0x80, $0x38;
	[tilespmem:$0x1C200] =	vst v63  }
0x75: {  	s29 =	sor.u32 s29, s30;
	_ =	swait.ge [sflag:s17], $0x80  }
0x76: {  	s0 =	sshrl.u32 s29, $0x3;
	[sflag:s17] =	ssyncset.done $0x0  }
0x77: {  	s0 =	sadd.s32 s2, s0;
	[sflag:s17] =	ssyncadd.s32 $0xFFFFFF80  }
0x78: {  	[tilespmem:s18], [sflag:$0x3] =	stream.linear.gather [hbm4b:s0+s4], $0x80, $0x38;
	[tilespmem:$0x1C200] =	vst v63  }
0x79: {  	_ =	swait.ge [sflag:s17], $0x80  }
0x7a: {  	[sflag:s17] =	ssyncset.done $0x0  }
0x7b: {  	[sflag:s17] =	ssyncadd.s32 $0xFFFFFF80  }
0x7c: {  	[tilespmem:s20], [sflag:$0x1] =	stream.indirect.gather [hbm4b:s5+s19], $0x80, s4, s19, $0xb8;
	[tilespmem:$0x1C200] =	vst v63  }
0x7d: {  	_ =	swait.ge [sflag:s23], $0x4000  }
0x7e: {  	s30 =	sand.u32 $0x7C00, s26;
	[sflag:s23] =	ssyncset.done $0x0  }
0x7f: {  	s1 =	sand.u32 $0x380, s26;
	s31 =	sadd.s32 s7, s30;
	[sflag:s23] =	ssyncadd.s32 $0xFFFFC000  }
0x80: {  	[spmem:s3] =	stream.indirect.scatter.add.f32 [tilespmem:s21], [sflag:$0x3], $0x80, s24, s19, $0xb8;
	[tilespmem:$0x1C200] =	vst v63  }
0x81: {  	s26 =	sor.u32 s1, s31;
	_ =	swait.ge [sflag:s17], $0x4000  }
0x82: {  	s26 =	sshrl.u32 s26, $0x3;
	[sflag:s17] =	ssyncset.done $0x0  }
0x83: {  	s26 =	sadd.s32 s2, s26;
	s0 =	sadd.s32 s9, s30;
	[sflag:s17] =	ssyncadd.s32 $0xFFFFC000  }
0x84: {  	[tilespmem:s19], [sflag:$0x3] =	stream.linear.gather [hbm4b:s26+s4], $0x80, $0x38;
	[tilespmem:$0x1C200] =	vst v63  }
0x85: {  	s0 =	sor.u32 s1, s0;
	_ =	swait.ge [sflag:s17], $0x80  }
0x86: {  	s0 =	sshrl.u32 s0, $0x3;
	[sflag:s17] =	ssyncset.done $0x0  }
0x87: {  	s0 =	sadd.s32 s2, s0;
	[sflag:s17] =	ssyncadd.s32 $0xFFFFFF80  }
0x88: {  	[tilespmem:s24], [sflag:$0x3] =	stream.linear.gather [hbm4b:s0+s4], $0x80, $0x38;
	[tilespmem:$0x1C200] =	vst v63  }
0x89: {  	_ =	swait.ge [sflag:s17], $0x80  }
0x8a: {  	[sflag:s17] =	ssyncset.done $0x0  }
0x8b: {  	[sflag:s17] =	ssyncadd.s32 $0xFFFFFF80  }
0x8c: {  	[tilespmem:s21], [sflag:$0x2] =	stream.indirect.gather [hbm4b:s5+s19], $0x80, s19, s19, $0xb8;
	[tilespmem:$0x1C200] =	vst v63  }
0x8d: {  	_ =	swait.ge [sflag:s22], $0x4000  }
0x8e: {  	[sflag:s22] =	ssyncset.done $0x0  }
0x8f: {  	[sflag:s22] =	ssyncadd.s32 $0xFFFFC000  }
0x90: {  	[spmem:s3] =	stream.indirect.scatter.add.f32 [tilespmem:s20], [sflag:$0x3], $0x80, s18, s19, $0xb8;
	[tilespmem:$0x1C200] =	vst v63  }
0x91: {  	_ =	swait.ge [sflag:s17], $0x4000  }
0x92: {  	[sflag:s17] =	ssyncset.done $0x0  }
0x93: {  	[sflag:s17] =	ssyncadd.s32 $0xFFFFC000  }
0x94: {  	_ =	swait.ge [sflag:s23], $0x4000  }
0x95: {  	[sflag:s23] =	ssyncset.done $0x0  }
0x96: {  	[sflag:s23] =	ssyncadd.s32 $0xFFFFC000  }
0x97: {  	[spmem:s3] =	stream.indirect.scatter.add.f32 [tilespmem:s21], [sflag:$0x3], $0x80, s24, s19, $0xb8;
	[tilespmem:$0x1C200] =	vst v63  }
0x98: {  	_ =	swait.ge [sflag:s17], $0x4000  }
0x99: {  	s25 =	sadd.s32 $0x1, s25;
	[sflag:s17] =	ssyncset.done $0x0  }
0x9a: {  	p0 =	sne.s32 s25, s15;
	[sflag:s17] =	ssyncadd.s32 $0xFFFFC000  }
.Ltmp1:
0x9b: {  	[bflag:$0x0] =	sbarrier.arrive $0xFFFF;
	(pc) =	sbr.rel @p0 .LBB2_1-.Ltmp1, $4  }
0x9c: {  	[hbm:s14], [sflag:s8] =	dma.local [spmem:s16], $0x2800  }
0x9d: {  	_ =	swait.ge [sflag:s17], $0x2800  }
0x9e: {  	[sflag:s17] =	ssyncset.done $0x0  }
0x9f: {  	[sflag:s17] =	ssyncadd.s32 $0xFFFFD800  }
0xa0: {  	_ =	sfence.sel $0x180000  }
0xa1: {  	[bflag:$0x0] =	sbarrier.arrive $0xFFFF  }
0xa2: {  	_ =	strace $0x9000004D  }
0xa3: {  	s0 =	stileid.u32;
	[bflag:$0x2] =	sbarrier.arrive $0xFFFF  }
0xa4: {  	p0 =	sne.s32 s0, $0x0;
	s0 =	rddreg [dreg:$0x3]  }
0xa5: {  	s0 =	sadd.s32 @!p0 $0x100000, s0  }
0xa6: {  	[sflag:s0] =	ssyncadd.tile.s32 @!p0 $0x1;
	_ =	shalt  }
.Lfunc_end2:
_tile_overlayer_lowered:
.L_overlay_start_2:
0xa7: {  	(tag) =	ssettag $0x2  }
0xa8: {  	s0 =	rddreg [dreg:$0x0];
	s2 =	stileid.u32  }
0xa9: {  	s1 =	rddreg [dreg:$0x1];
	p0 =	sne.s32 s2, $0x0  }
0xaa: {  	s3 =	rddreg [dreg:$0x2];
	[bflag:$0x3] =	sbarrier.arrive $0xFFFF;
	s2 =	simm.s32 @!p0 $0x1C03  }
0xab: {  	[timem:s3], [sflag:s2] =	dma.local @!p0 [hbm:s0], s1  }
0xac: {  	s0 =	simm.s32 @!p0 $0x3  }
0xad: {  	_ =	swait.ge @!p0 [sflag:s0], s1  }
0xae: {  	s1 =	ssub.s32 @!p0 $0x0, s1;
	[sflag:s0] =	ssyncset.done @!p0 $0x0  }
0xaf: {  	[sflag:s0] =	ssyncadd.s32 @!p0 s1  }
0xb0: {  	[bflag:$0x3] =	sbarrier.arrive $0xFFFF  }
0xb1: {  	_ =	shalt  }

// kernel: kernel.8.cloned.1.call-start
scs
__scs_entry_jumppad:
0x0: {  	(pc) =	sbr.rel $0x88, $3  }
0x1: {  	(tag) =	ssettag $0x0;
	lr =	simm.s32 $0x1  }
0x2: {  	[smem:$0x3F97] =	sst lr;
	_ =	strace $0xD0000000  }
0x3: {  	_ = 	snop  }
0x4: {  	_ = 	snop  }
0x5: {  	_ = 	snop  }
0x6: {  	_ = 	snop  }
0x7: {  	_ = 	snop  }
__scs_overlays_trampoline_lowered:
0x8: {  	[smem:$0x3FA6] =	sst s0  }
0x9: {  	[smem:$0x3FA7] =	sst s1  }
0xa: {  	[smem:$0x3FA8] =	sst s2  }
0xb: {  	[smem:$0x3FA9] =	sst s3  }
0xc: {  	[smem:$0x3FAA] =	sst s4  }
0xd: {  	[smem:$0x3FAB] =	sst s5  }
0xe: {  	[smem:$0x3FAC] =	sst s6  }
0xf: {  	[smem:$0x3FAD] =	sst s7  }
0x10: {  	[smem:$0x3FAE] =	sst s8  }
0x11: {  	[smem:$0x3FAF] =	sst s9;
	s0 =	simm.s32 @!p0 $0x0  }
0x12: {  	s1 =	sld [smem:$0x3F95];
	s0 =	simm.s32 @p0 $0x1  }
0x13: {  	[smem:$0x3FB0] =	sst s0;
	s0 =	simm.s32 @!p1 $0x0  }
0x14: {  	s2 =	sld [smem:$0x3F94];
	s0 =	simm.s32 @p1 $0x1  }
0x15: {  	[smem:$0x3FB1] =	sst s0;
	s0 =	simm.s32 @!p2 $0x0  }
0x16: {  	s3 =	sld [smem:$0x3FDB];
	s0 =	simm.s32 @p2 $0x1  }
0x17: {  	s4 =	simm.s32 $0x1BF5;
	[smem:$0x3FB3] =	sst s0  }
0x18: {  	s0 =	sld [smem:$0x3F96];
	_ =	swait.ge [sflag:s4], $0x0  }
0x19: {  	s7 =	sld [smem:$0x3F97]  }
0x1a: {  	s8 =	sadd.s32 $0xFFFFE003, lr  }
0x1b: {  	s9 =	sadd.s32 $0xFFFFFEF7, lr;
	s5 =	simm.s32 $0xFFFFFFFF;
	p2 =	slt.u32 s8, $0xFFFFF086  }
0x1c: {  	p1 =	slt.u32 s9, $0xF7A;
	s5 =	simm.s32 @!p2 $0x0  }
0x1d: {  	s5 =	simm.s32 @p1 $0x1;
	p0 =	seq.s32 s7, s2  }
0x1e: {  	s7 =	smul.u32 @!p0 $0xF7A, s2;
	p2 =	seq.s32 @!p0 s5, $0x0  }
0x1f: {  	s9 =	smul.u32 $0xF7A, s1;
	s8 =	simm.s32 @!p0 $0x1BF5;
	p2 =	por !p2, p0  }
0x20: {  	[sflag:s8] =	ssyncset.s32 @!p0 $0xFFFFF086;
	s6 =	sadd.s32 @!p0 s3, s7;
	s7 =	simm.s32 @!p0 $0x108  }
0x21: {  	s3 =	sadd.s32 s3, s9;
	s6 =	sadd.s32 @!p0 $0x88, s6;
	s7 =	simm.s32 @p2 $0x1082  }
0x22: {  	[simem:s7], [sflag:s8] =	dma.local @!p0 [hbm:s6], $0xF7A  }
0x23: {  	s9 =	sor.u32 $0xD0000000, s2;
	s6 =	simm.s32 $0x108;
	_ =	swait.ge @!p0 [sflag:s8], $0x0  }
0x24: {  	s3 =	sadd.s32 $0x88, s3;
	s6 =	simm.s32 @!p1 $0x1082;
	[sflag:s4] =	ssyncset.s32 $0xFFFFF086  }
0x25: {  	[simem:s6], [sflag:s4] =	dma.local [hbm:s3], $0xF7A  }
0x26: {  	[smem:$0x3F97] =	sst s1;
	(tag) =	ssettag s2;
	_ =	strace s9  }
0x27: {  	s1 =	sld [smem:$0x3FA7]  }
0x28: {  	s2 =	sld [smem:$0x3FA8]  }
0x29: {  	s4 =	sld [smem:$0x3FAA]  }
0x2a: {  	p0 =	seq.s32 s5, $0x0;
	s5 =	sld [smem:$0x3FAB]  }
0x2b: {  	s6 =	sld [smem:$0x3FAC]  }
0x2c: {  	s7 =	sld [smem:$0x3FAD]  }
0x2d: {  	s3 =	simm.s32 $0x108;
	s8 =	sld [smem:$0x3FAE]  }
0x2e: {  	s3 =	simm.s32 @!p0 $0x1082;
	s9 =	sld [smem:$0x3FAF]  }
0x2f: {  	lr =	sadd.s32 s0, s3;
	s0 =	sld [smem:$0x3FA6]  }
0x30: {  	s3 =	sld [smem:$0x3FA9]  }
0x31: {  	[smem:$0x3FB2] =	sst s10  }
0x32: {  	s10 =	sld [smem:$0x3FB0];
	_ =	sdelay $0x3  }
0x33: {  	p0 =	seq.s32 s10, $0x1;
	s10 =	sld [smem:$0x3FB2];
	_ =	sdelay $0x3  }
0x34: {  	[smem:$0x3FB2] =	sst s10  }
0x35: {  	s10 =	sld [smem:$0x3FB1];
	_ =	sdelay $0x3  }
0x36: {  	p1 =	seq.s32 s10, $0x1;
	s10 =	sld [smem:$0x3FB2];
	_ =	sdelay $0x3  }
0x37: {  	[smem:$0x3FB2] =	sst s10  }
0x38: {  	s10 =	sld [smem:$0x3FB3]  }
0x39: {  	_ = 	snop;
	(pc) =	sbr.ind lr, $3  }
0x3a: {  	_ = 	snop  }
0x3b: {  	_ = 	snop  }
0x3c: {  	p2 =	seq.s32 s10, $0x1;
	s10 =	sld [smem:$0x3FB2]  }
0x3d: {  	_ =	shalt  }
0x3e: {  	_ =	shalt  }
0x3f: {  	_ =	shalt  }
0x40: {  	_ =	shalt  }
0x41: {  	_ =	shalt  }
0x42: {  	_ =	shalt  }
0x43: {  	_ =	shalt  }
0x44: {  	_ =	shalt  }
0x45: {  	_ =	shalt  }
0x46: {  	_ =	shalt  }
0x47: {  	_ =	shalt  }
0x48: {  	_ =	shalt  }
0x49: {  	_ =	shalt  }
0x4a: {  	_ =	shalt  }
0x4b: {  	_ =	shalt  }
0x4c: {  	_ =	shalt  }
0x4d: {  	_ =	shalt  }
0x4e: {  	_ =	shalt  }
0x4f: {  	_ =	shalt  }
0x50: {  	_ =	shalt  }
0x51: {  	_ =	shalt  }
0x52: {  	_ =	shalt  }
0x53: {  	_ =	shalt  }
0x54: {  	_ =	shalt  }
0x55: {  	_ =	shalt  }
0x56: {  	_ =	shalt  }
0x57: {  	_ =	shalt  }
0x58: {  	_ =	shalt  }
0x59: {  	_ =	shalt  }
0x5a: {  	_ =	shalt  }
0x5b: {  	_ =	shalt  }
0x5c: {  	_ =	shalt  }
0x5d: {  	_ =	shalt  }
0x5e: {  	_ =	shalt  }
0x5f: {  	_ =	shalt  }
0x60: {  	_ =	shalt  }
0x61: {  	_ =	shalt  }
0x62: {  	_ =	shalt  }
0x63: {  	_ =	shalt  }
0x64: {  	_ =	shalt  }
0x65: {  	_ =	shalt  }
0x66: {  	_ =	shalt  }
0x67: {  	_ =	shalt  }
0x68: {  	_ =	shalt  }
0x69: {  	_ =	shalt  }
0x6a: {  	_ =	shalt  }
0x6b: {  	_ =	shalt  }
0x6c: {  	_ =	shalt  }
0x6d: {  	_ =	shalt  }
0x6e: {  	_ =	shalt  }
0x6f: {  	_ =	shalt  }
0x70: {  	_ =	shalt  }
0x71: {  	_ =	shalt  }
0x72: {  	_ =	shalt  }
0x73: {  	_ =	shalt  }
0x74: {  	_ =	shalt  }
0x75: {  	_ =	shalt  }
0x76: {  	_ =	shalt  }
0x77: {  	_ =	shalt  }
0x78: {  	_ =	shalt  }
0x79: {  	_ =	shalt  }
0x7a: {  	_ =	shalt  }
0x7b: {  	_ =	shalt  }
0x7c: {  	_ =	shalt  }
0x7d: {  	_ =	shalt  }
0x7e: {  	_ =	shalt  }
0x7f: {  	_ =	shalt  }
0x80: {  	_ =	shalt  }
0x81: {  	_ =	shalt  }
0x82: {  	_ =	shalt  }
0x83: {  	_ =	shalt  }
0x84: {  	_ =	shalt  }
0x85: {  	_ =	shalt  }
0x86: {  	_ =	shalt  }
0x87: {  	_ =	shalt  }
.Lfunc_end0:
.L_simem_size_0:
called_computation_lowered:
.L_overlay_start_0:
0x88: {  	s2 =	sld [smem:$0x3FD9]  }
0x89: {  	s3 =	sld [smem:$0x3FFE];
	_ =	sdelay $0x1  }
0x8a: {  	s1 =	srdreg.scid  }
0x8b: {  	s0 =	sand.u32 $0x1, s1  }
0x8c: {  	s16 =	sshll.u32 s0, $0xA;
	s2 =	sadd.s32 s3, s2  }
0x8d: {  	s2 =	sadd.s32 s2, s16  }
0x8e: {  	[smem:$0x3FBE] =	sst s2  }
0x8f: {  	_ = 	snop  }
0x90: {  	(tm) =	ssettm $0x1  }
0x91: {  	s17 =	sld [smem:$0x3FFB];
	_ =	sdelay $0x3  }
0x92: {  	_ =	strace s17  }
0x93: {  	s2 =	sld [smem:$0x3FFC];
	_ =	sdelay $0x3  }
0x94: {  	_ =	strace s2  }
0x95: {  	s2 =	sld [smem:$0x3FFD];
	_ =	sdelay $0x3  }
0x96: {  	_ =	strace s2  }
0x97: {  	_ =	strace $0x8FFFFFFF  }
0x98: {  	s18 =	sld [smem:$0x3FDB];
	_ =	sdelay $0x1  }
0x99: {  	s19 =	simm.s32 $_scs_section_size  }
0x9a: {  	s4 =	simm.s32 $_size__tile_overlayer_lowered;
	s5 =	simm.s32 $_tile_overlayer_lowered  }
0x9b: {  	s22 =	simm.s32 $0x1BFF;
	s21 =	sshll.u32 s5, $0x1;
	s2 =	sadd.s32 s19, s18  }
0x9c: {  	s6 =	simm.s32 $0x0;
	s20 =	sshll.u32 s4, $0x1;
	s4 =	sadd.s32 s21, s2  }
0x9d: {  	[timem:s6], [sflag:s22] =	dma.local [hbm:s4], s20  }
0x9e: {  	_ =	swait.ge [sflag:s22], s20  }
0x9f: {  	s3 =	ssub.s32 $0x0, s20;
	[sflag:s22] =	ssyncset.done $0x0  }
0xa0: {  	[sflag:s22] =	ssyncadd.s32 s3;
	_ =	sdelay $0x1  }
0xa1: {  	s23 =	simm.s32 $0x1B8B  }
0xa2: {  	_ =	swait.ge [sflag:s23], $0x1  }
0xa3: {  	[sflag:s23] =	ssyncset.done $0x0  }
0xa4: {  	s25 =	simm.s32 $0x1B8E;
	s24 =	sld [smem:$0x3FFE];
	[sflag:s23] =	ssyncadd.s32 $0xFFFFFFFF  }
0xa5: {  	s26 =	simm.s32 $execute0_lowered;
	[smem:$0x3FD2] =	sst s25  }
0xa6: {  	s4 =	sshll.u32 s26, $0x1;
	_ =	strace $0x80000046;
	[dreg:$0x1] =	wrdreg $0xFFFFFFFF  }
0xa7: {  	s28 =	simm.s32 $_size_execute0_lowered;
	s2 =	sadd.s32 s2, s4;
	[dreg:$0x0] =	wrdreg $0x0  }
0xa8: {  	s4 =	sshll.u32 s28, $0x1;
	[dreg:$0x2] =	wrdreg s2  }
0xa9: {  	[dreg:$0x3] =	wrdreg s4  }
0xaa: {  	[dreg:$0x4] =	wrdreg $0xC0  }
0xab: {  	_ =	task [dreg:s6], $0x5FFFF  }
0xac: {  	[dreg:$0x1] =	wrdreg $0xFFFFFFFF  }
0xad: {  	[dreg:$0x0] =	wrdreg $0x60  }
0xae: {  	[dreg:$0x2] =	wrdreg s24  }
0xaf: {  	[dreg:$0x3] =	wrdreg $0x68000  }
0xb0: {  	[dreg:$0x4] =	wrdreg $0x9  }
0xb1: {  	_ =	task.clear_ibuf [dreg:s6], $0x5FFFF;
	_ =	strace $0x90000046  }
0xb2: {  	s29 =	simm.s32 $0x9;
	_ =	strace $0x80000048  }
0xb3: {  	_ =	swait.ge [sflag:s29], $0x1  }
0xb4: {  	[sflag:s29] =	ssyncadd.s32 $0xFFFFFFFF  }
0xb5: {  	_ =	strace $0x90000048  }
0xb6: {  	_ =	sfence  }
0xb7: {  	s30 =	sld [smem:$0x0];
	_ =	sdelay $0x2  }
0xb8: {  	s31 =	sshll.u32 s1, $0xD;
	s1 =	sshrl.u32 s1, $0x2  }
0xb9: {  	s3 =	sand.u32 $0x4000, s31;
	s1 =	sadd.s32 s1, s30  }
0xba: {  	s0 =	sor.u32 s3, s0;
	s1 =	sshll.u32 s1, $0x11  }
0xbb: {  	s0 =	sor.u32 s1, s0  }
0xbc: {  	s0 =	sadd.s32 $0x8F2B, s0  }
0xbd: {  	[sflag:s0] =	ssyncadd.remote.s32 $0x1  }
0xbe: {  	_ =	sfence.sel $0xFFFF  }
0xbf: {  	[dreg:$0x0] =	wrdreg $0xFFFFFFFF;
	(pc) =	sbr.abs _section_cstart, $3  }
0xc0: {  	[dreg:$0x1] =	wrdreg $0xFFFFFFFF  }
0xc1: {  	_ =	task.clear_ibuf [dreg:s6], $0x2FFFF;
	_ =	strace $0x9FFFFFFF  }
0xc2: {  	(tm) =	ssettm $0x7FFFFFFF  }
0xc3: {  	_ =	shalt  }
tec
execute0_lowered:
.L_overlay_start_1:
0x0: {  	(tag) =	ssettag $0x1  }
0x1: {  	s0 =	srdreg.scid;
	s5 =	rddreg [dreg:$0x0]  }
0x2: {  	s2 =	rddreg [dreg:$0x1];
	s4 =	sand.u32 $0x1, s0  }
0x3: {  	s0 =	stileid.u32;
	s6 =	smul.u32 $0x28000, s4  }
0x4: {  	s1 =	rddreg [dreg:$0x2];
	s3 =	simm.s32 $0x0;
	s7 =	smul.u32 $0x2800, s0  }
0x5: {  	s13 =	simm.s32 $0x80;
	[smem:$0x7FF] =	sst s3;
	s8 =	smul.u32 $0x14000, s0  }
0x6: {  	s14 =	simm.s32 $0x0;
	s9 =	smul.u32 $0x140000, s4;
	_ =	strace $0x80000047  }
0x7: {  	s30 =	ssub.s32 $0x2, s4;
	s10 =	smul.u32 $0x50000, s0;
	s4 =	sadd.s32 $0xD400, s5  }
0x8: {  	s31 =	sshll.u32 s0, $0x6;
	s11 =	sshrl.u32 s30, $0x1;
	s6 =	sadd.s32 s7, s6  }
0x9: {  	s29 =	sshrl.u32 s8, $0x3;
	s8 =	sadd.s32 s8, s9;
	s9 =	ssub.s32 s30, s11  }
0xa: {  	s10 =	sshrl.u32 s10, $0x2;
	s11 =	sor.u32 $0x1C01, s31;
	s6 =	sshrl.u32 s6, $0x3  }
0xb: {  	s7 =	sadd.s32 s29, s5;
	s8 =	sshrl.u32 s8, $0x3;
	s12 =	sadd.s32 s10, s2  }
0xc: {  	s10 =	simm.s32 $0x2800;
	s6 =	sadd.s32 s6, s5;
	s8 =	sadd.s32 s8, s5  }
0xd: {  	s12 =	sshrl.u32 s12, $0x3;
	s5 =	sadd.s32 $0x3400, s6;
	s6 =	sadd.s32 $0xDC00, s7  }
0xe: {  	s7 =	sadd.s32 $0x35C00, s8;
	s8 =	smax.u32 s9, $0x1;
	s9 =	simm.s32 $0x1  }
.LBB2_1:
0xf: {  	[tilespmem:s3], [sflag:$0x1] =	stream.linear.gather [hbm4b:s5+s3], $0x2800, $0x38;
	[tilespmem:$0x1A800] =	vst v63  }
0x10: {  	_ =	swait.ge [sflag:s9], $0x2800  }
0x11: {  	[sflag:s9] =	ssyncset.done $0x0  }
0x12: {  	[sflag:s9] =	ssyncadd.s32 $0xFFFFD800  }
0x13: {  	[tilespmem:s10], [sflag:$0x1] =	stream.linear.gather [hbm4b:s4+s3], $0x4000, $0x38;
	[tilespmem:$0x1A800] =	vst v63  }
0x14: {  	_ =	swait.ge [sflag:s9], $0x4000  }
0x15: {  	[sflag:s9] =	ssyncset.done $0x0  }
0x16: {  	[sflag:s9] =	ssyncadd.s32 $0xFFFFC000  }
0x17: {  	[spmem:s12], [sflag:s11] =	dma.local [hbm:s6], $0x2800  }
0x18: {  	_ =	swait.ge [sflag:s9], $0x2800  }
0x19: {  	[sflag:s9] =	ssyncset.done $0x0  }
0x1a: {  	[sflag:s9] =	ssyncadd.s32 $0xFFFFD800  }
0x1b: {  	s15 =	simm.s32 $0x0;
	[bflag:$0x0] =	sbarrier.arrive $0xFFFF  }
0x1c: {  	[spmem:s2] =	stream.indirect.scatter.add.f32 [tilespmem:s10], [sflag:$0x1], $0x80, s15, s13, $0xb8;
	[tilespmem:$0x1A800] =	vst v63  }
0x1d: {  	_ =	swait.ge [sflag:s9], $0x4000  }
0x1e: {  	s15 =	simm.s32 $0x200;
	[sflag:s9] =	ssyncset.done $0x0  }
.LBB2_2:
0x1f: {  	s16 =	sshra.s32 s15, $0x2;
	[sflag:s9] =	ssyncadd.s32 $0xFFFFC000;
	p0 =	sne.s32 s15, $0x9E00  }
0x20: {  	[spmem:s2] =	stream.indirect.scatter.add.f32 [tilespmem:s10], [sflag:$0x1], $0x80, s16, s13, $0xb8;
	[tilespmem:$0x1A800] =	vst v63  }
.Ltmp0:
0x21: {  	_ = 	snop;
	(pc) =	sbr.rel @p0 .LBB2_2-.Ltmp0, $4  }
0x22: {  	_ = 	snop  }
0x23: {  	s15 =	sadd.s32 $0x200, s15  }
0x24: {  	_ =	swait.ge [sflag:s9], $0x4000  }
0x25: {  	[sflag:s9] =	ssyncset.done $0x0  }
0x26: {  	s14 =	sadd.s32 $0x1, s14  }
0x27: {  	[sflag:s9] =	ssyncadd.s32 $0xFFFFC000;
	p0 =	sne.s32 s14, s8  }
.Ltmp1:
0x28: {  	[bflag:$0x0] =	sbarrier.arrive $0xFFFF;
	(pc) =	sbr.rel @p0 .LBB2_1-.Ltmp1, $4  }
0x29: {  	[hbm:s7], [sflag:s11] =	dma.local [spmem:s12], $0x2800  }
0x2a: {  	_ =	swait.ge [sflag:s9], $0x2800  }
0x2b: {  	[sflag:s9] =	ssyncset.done $0x0  }
0x2c: {  	[sflag:s9] =	ssyncadd.s32 $0xFFFFD800  }
0x2d: {  	_ =	sfence.sel $0x180000  }
0x2e: {  	[bflag:$0x0] =	sbarrier.arrive $0xFFFF  }
0x2f: {  	p0 =	sne.s32 s0, $0x0;
	_ =	strace $0x90000047  }
0x30: {  	s0 =	sadd.s32 @!p0 $0x100000, s1;
	[bflag:$0x2] =	sbarrier.arrive $0xFFFF  }
0x31: {  	[sflag:s0] =	ssyncadd.tile.s32 @!p0 $0x1;
	_ =	shalt  }
.Lfunc_end2:
_tile_overlayer_lowered:
.L_overlay_start_2:
0x32: {  	(tag) =	ssettag $0x2  }
0x33: {  	s0 =	rddreg [dreg:$0x0];
	s2 =	stileid.u32  }
0x34: {  	s1 =	rddreg [dreg:$0x1];
	p0 =	sne.s32 s2, $0x0  }
0x35: {  	s3 =	rddreg [dreg:$0x2];
	[bflag:$0x3] =	sbarrier.arrive $0xFFFF;
	s2 =	simm.s32 @!p0 $0x1C01  }
0x36: {  	[timem:s3], [sflag:s2] =	dma.local @!p0 [hbm:s0], s1  }
0x37: {  	s0 =	simm.s32 @!p0 $0x1  }
0x38: {  	_ =	swait.ge @!p0 [sflag:s0], s1  }
0x39: {  	s1 =	ssub.s32 @!p0 $0x0, s1;
	[sflag:s0] =	ssyncset.done @!p0 $0x0  }
0x3a: {  	[sflag:s0] =	ssyncadd.s32 @!p0 s1  }
0x3b: {  	[bflag:$0x3] =	sbarrier.arrive $0xFFFF  }
0x3c: {  	_ =	shalt  }

</sc_bundles>
